<compile_context>
chip_gen: v7x
topology: tpu7x:2x2x1
jax: 0.10.2.dev20260603
libtpu: 0.0.44.dev20260713+nightly
codegen_flags: <defaults>
</compile_context>

<pallas_src>
import jax
import jax.numpy as jnp
from jax import lax
from jax.experimental import pallas as pl
from jax.experimental.pallas import tpu as pltpu
from jax.experimental.pallas import tpu_sc as plsc

E = 8
K = 2
H = 1024
DFF = 2048
T = 2048
SHARED = 1
LB_W = 0.01
Z_W = 0.01

BLK = 256
NB = (T * K) // BLK + E
P = NB * BLK
CH = 128

NC = 2
NS = 16
NW = NC * NS
_TPW = T // NW


def _router_body(x_ref, rw_ref, pos0_ref, pos1_ref, w0_ref, w1_ref, be_ref,
                 lb_ref, z_ref, tot_ref):
    x = x_ref[...]
    rw = rw_ref[...]
    logits = lax.dot_general(x, rw, (((1,), (1,)), ((), ())),
                             preferred_element_type=jnp.float32)
    zsum = jnp.sum(logits * logits)

    m = jnp.max(logits, axis=-1, keepdims=True)
    ex = jnp.exp(logits - m)
    probs = ex / jnp.sum(ex, axis=-1, keepdims=True)

    eidx = lax.broadcasted_iota(jnp.int32, (T, E), 1)
    a1 = jnp.argmax(probs, axis=-1)
    oh1 = eidx == a1[:, None]
    m1 = jnp.max(probs, axis=-1, keepdims=True)
    probs2 = jnp.where(oh1, -1.0, probs)
    a2 = jnp.argmax(probs2, axis=-1)
    oh2 = eidx == a2[:, None]
    m2 = jnp.max(probs2, axis=-1, keepdims=True)
    s = m1 + m2
    w0_ref[...] = m1 / s
    w1_ref[...] = m2 / s

    ohtok = oh1.astype(jnp.float32) + oh2.astype(jnp.float32)

    ri = lax.broadcasted_iota(jnp.int32, (CH, CH), 0)
    ci = lax.broadcasted_iota(jnp.int32, (CH, CH), 1)
    L = (ri > ci).astype(jnp.float32)
    run = jnp.zeros((1, E), jnp.float32)
    parts = []
    for c in range(T // CH):
        chunk = lax.slice_in_dim(ohtok, c * CH, (c + 1) * CH, axis=0)
        within = lax.dot_general(L, chunk, (((1,), (0,)), ((), ())),
                                 preferred_element_type=jnp.float32)
        parts.append(within + run)
        run = run + jnp.sum(chunk, axis=0, keepdims=True)
    ranks = jnp.concatenate(parts, axis=0)
    counts = run

    ci32 = counts.astype(jnp.int32)
    pc = ((ci32 + (BLK - 1)) // BLK) * BLK
    pcf = pc.astype(jnp.float32)
    ji = lax.broadcasted_iota(jnp.int32, (E, E), 0)
    ei = lax.broadcasted_iota(jnp.int32, (E, E), 1)
    U = (ji < ei).astype(jnp.float32)
    off = lax.dot_general(pcf, U, (((1,), (0,)), ((), ())),
                          preferred_element_type=jnp.float32)

    target = off + ranks
    pos0_ref[0, :] = jnp.sum(jnp.where(oh1, target, 0.0), axis=-1).astype(jnp.int32)
    pos1_ref[0, :] = jnp.sum(jnp.where(oh2, target, 0.0), axis=-1).astype(jnp.int32)

    ends = off + pcf
    bstart = (lax.broadcasted_iota(jnp.int32, (NB, E), 0) * BLK).astype(jnp.float32)
    done = (bstart >= ends).astype(jnp.float32)
    be = jnp.minimum(jnp.sum(done, axis=-1), float(E - 1))
    be_ref[0, :] = be.astype(jnp.int32)

    stot = jnp.sum(counts) + float(T)
    ideal = 1.0 / float(E + SHARED)
    ln = counts / stot
    lb = (jnp.sum((ln - ideal) ** 2) + (float(T) / stot - ideal) ** 2) / float(E + SHARED)
    z = zsum / float(T)
    lb_ref[...] = jnp.broadcast_to(lb, (1, 1))
    z_ref[...] = jnp.broadcast_to(z, (1, 1))
    tot_ref[...] = jnp.broadcast_to(LB_W * lb + Z_W * z, (1, 1))


def _run_router(x, router_w):
    out_shape = [
        jax.ShapeDtypeStruct((1, T), jnp.int32),
        jax.ShapeDtypeStruct((1, T), jnp.int32),
        jax.ShapeDtypeStruct((T, 1), jnp.float32),
        jax.ShapeDtypeStruct((T, 1), jnp.float32),
        jax.ShapeDtypeStruct((1, NB), jnp.int32),
        jax.ShapeDtypeStruct((1, 1), jnp.float32),
        jax.ShapeDtypeStruct((1, 1), jnp.float32),
        jax.ShapeDtypeStruct((1, 1), jnp.float32),
    ]
    return pl.pallas_call(_router_body, out_shape=out_shape)(x, router_w)


def _dispatch_body(pos0_hbm, pos1_hbm, x_hbm, xs_hbm, i0_v, i1_v, rows_v,
                   s0, s1):
    c = lax.axis_index("c")
    s = lax.axis_index("s")
    wid = s * NC + c
    base = wid * _TPW
    pltpu.sync_copy(pos0_hbm.at[pl.ds(base, _TPW)], i0_v)
    pltpu.sync_copy(pos1_hbm.at[pl.ds(base, _TPW)], i1_v)
    pltpu.sync_copy(x_hbm.at[pl.ds(base, _TPW)], rows_v)
    d0 = pltpu.async_copy(rows_v, xs_hbm.at[i0_v], s0)
    d1 = pltpu.async_copy(rows_v, xs_hbm.at[i1_v], s1)
    d0.wait()
    d1.wait()


def _run_dispatch(pos0, pos1, x):
    mesh = plsc.VectorSubcoreMesh(core_axis_name="c", subcore_axis_name="s",
                                  num_cores=NC, num_subcores=NS)
    f = pl.kernel(
        _dispatch_body,
        out_type=jax.ShapeDtypeStruct((P, H), jnp.float32),
        mesh=mesh,
        scratch_types=[
            pltpu.VMEM((_TPW,), jnp.int32),
            pltpu.VMEM((_TPW,), jnp.int32),
            pltpu.VMEM((_TPW, H), jnp.float32),
            pltpu.SemaphoreType.DMA,
            pltpu.SemaphoreType.DMA,
        ],
    )
    return f(pos0, pos1, x)


def _ffn_body(be_ref, x_ref, wg_ref, wu_ref, wd_ref, out_ref):
    xb = x_ref[...]
    g = lax.dot_general(xb, wg_ref[0], (((1,), (1,)), ((), ())),
                        preferred_element_type=jnp.float32)
    u = lax.dot_general(xb, wu_ref[0], (((1,), (1,)), ((), ())),
                        preferred_element_type=jnp.float32)
    a = (g * lax.logistic(g)) * u
    y = lax.dot_general(a, wd_ref[0], (((1,), (1,)), ((), ())),
                        preferred_element_type=jnp.float32)
    out_ref[...] = y


def _run_ffn(be, xs, Wg, Wu, Wd):
    grid_spec = pltpu.PrefetchScalarGridSpec(
        num_scalar_prefetch=1,
        grid=(NB,),
        in_specs=[
            pl.BlockSpec((BLK, H), lambda b, be: (b, 0)),
            pl.BlockSpec((1, DFF, H), lambda b, be: (be[b], 0, 0)),
            pl.BlockSpec((1, DFF, H), lambda b, be: (be[b], 0, 0)),
            pl.BlockSpec((1, H, DFF), lambda b, be: (be[b], 0, 0)),
        ],
        out_specs=pl.BlockSpec((BLK, H), lambda b, be: (b, 0)),
    )
    return pl.pallas_call(
        _ffn_body,
        grid_spec=grid_spec,
        out_shape=jax.ShapeDtypeStruct((P, H), jnp.float32),
        compiler_params=pltpu.CompilerParams(
            vmem_limit_bytes=100 * 1024 * 1024),
    )(be, xs, Wg, Wu, Wd)


_YCH = 64


def _ygather_body(p0_hbm, p1_hbm, yb_hbm, y0_hbm, y1_hbm, idx_v, rows_v, sem):
    c = lax.axis_index("c")
    s = lax.axis_index("s")
    wid = s * NC + c
    base = wid * _TPW
    for k in range(2):
        p_hbm = (p0_hbm, p1_hbm)[k]
        yk_hbm = (y0_hbm, y1_hbm)[k]
        pltpu.sync_copy(p_hbm.at[pl.ds(base, _TPW)], idx_v)
        for t in range(_TPW // _YCH):
            pltpu.async_copy(yb_hbm.at[idx_v.at[pl.ds(t * _YCH, _YCH)]],
                             rows_v, sem).wait()
            pltpu.sync_copy(rows_v, yk_hbm.at[pl.ds(base + t * _YCH, _YCH)])


def _run_ygather(pos0, pos1, ybuf):
    mesh = plsc.VectorSubcoreMesh(core_axis_name="c", subcore_axis_name="s",
                                  num_cores=NC, num_subcores=NS)
    f = pl.kernel(
        _ygather_body,
        out_type=[
            jax.ShapeDtypeStruct((T, H), jnp.float32),
            jax.ShapeDtypeStruct((T, H), jnp.float32),
        ],
        mesh=mesh,
        scratch_types=[
            pltpu.VMEM((_TPW,), jnp.int32),
            pltpu.VMEM((_YCH, H), jnp.float32),
            pltpu.SemaphoreType.DMA,
        ],
    )
    return f(pos0, pos1, ybuf)


_SBLK = 256


def _shared_body(x_ref, wg_ref, wu_ref, wd_ref, y0_ref, y1_ref, w0_ref,
                 w1_ref, o_ref):
    xb = x_ref[...]
    g = lax.dot_general(xb, wg_ref[...], (((1,), (1,)), ((), ())),
                        preferred_element_type=jnp.float32)
    u = lax.dot_general(xb, wu_ref[...], (((1,), (1,)), ((), ())),
                        preferred_element_type=jnp.float32)
    a = (g * lax.logistic(g)) * u
    sh = lax.dot_general(a, wd_ref[...], (((1,), (1,)), ((), ())),
                         preferred_element_type=jnp.float32)
    o_ref[...] = sh + w0_ref[...] * y0_ref[...] + w1_ref[...] * y1_ref[...]


def _run_shared(x, swg, swu, swd, y0, y1, w0, w1):
    grid = (T // _SBLK,)
    return pl.pallas_call(
        _shared_body,
        grid=grid,
        in_specs=[
            pl.BlockSpec((_SBLK, H), lambda b: (b, 0)),
            pl.BlockSpec((DFF, H), lambda b: (0, 0)),
            pl.BlockSpec((DFF, H), lambda b: (0, 0)),
            pl.BlockSpec((H, DFF), lambda b: (0, 0)),
            pl.BlockSpec((_SBLK, H), lambda b: (b, 0)),
            pl.BlockSpec((_SBLK, H), lambda b: (b, 0)),
            pl.BlockSpec((_SBLK, 1), lambda b: (b, 0)),
            pl.BlockSpec((_SBLK, 1), lambda b: (b, 0)),
        ],
        out_specs=pl.BlockSpec((_SBLK, H), lambda b: (b, 0)),
        out_shape=jax.ShapeDtypeStruct((T, H), jnp.float32),
    )(x, swg, swu, swd, y0, y1, w0, w1)


def kernel(hidden_states, router_w, Wg, Wu, Wd, shared_wg, shared_wu, shared_wd):
    b, s, h = hidden_states.shape
    x = hidden_states.reshape(-1, h)

    pos0, pos1, w0, w1, be, lb, z, tot = _run_router(x, router_w)
    pos0 = pos0.reshape(T)
    pos1 = pos1.reshape(T)
    xs = _run_dispatch(pos0, pos1, x)
    ybuf = _run_ffn(be.reshape(NB), xs, Wg, Wu, Wd)
    y0, y1 = _run_ygather(pos0, pos1, ybuf)
    final = _run_shared(x, shared_wg, shared_wu, shared_wd, y0, y1, w0, w1)

    return (final.reshape(b, s, h), tot.reshape(()), lb.reshape(()),
            z.reshape(()))

# --- scband reference (transcript-rebuilt; emitter-appended) ---
"""Pipeline reference for scband-deep-seek-mo-emodel-33380485824727 (READ-ONLY COPY).

The authoritative reference and input builder live on the scoring server;
editing this copy changes nothing except your own understanding.
"""

import jax, jax.numpy as jnp
import numpy as np

E = 8
K = 2
H = 1024
DFF = 2048
B = 1
S = 2048
SHARED = 1
LB_W = 0.01
Z_W = 0.01


def setup_inputs(seed: int = 0) -> dict:
    key = jax.random.key(seed)
    ks = jax.random.split(key, 9)
    hidden_states = jax.random.normal(ks[0], (B, S, H), dtype=jnp.float32)
    router_w = jax.random.normal(ks[1], (E, H), dtype=jnp.float32) * (1.0 / np.sqrt(H))
    Wg = jax.random.normal(ks[2], (E, DFF, H), dtype=jnp.float32) * 0.02
    Wu = jax.random.normal(ks[3], (E, DFF, H), dtype=jnp.float32) * 0.02
    Wd = jax.random.normal(ks[4], (E, H, DFF), dtype=jnp.float32) * 0.02
    shared_wg = jax.random.normal(ks[5], (DFF, H), dtype=jnp.float32) * 0.02
    shared_wu = jax.random.normal(ks[6], (DFF, H), dtype=jnp.float32) * 0.02
    shared_wd = jax.random.normal(ks[7], (H, DFF), dtype=jnp.float32) * 0.02
    return {
        'hidden_states': hidden_states,
        'router_w': router_w,
        'Wg': Wg, 'Wu': Wu, 'Wd': Wd,
        'shared_wg': shared_wg, 'shared_wu': shared_wu, 'shared_wd': shared_wd,
    }


def reference(hidden_states, router_w, Wg, Wu, Wd, shared_wg, shared_wu, shared_wd):
    b, s, h = hidden_states.shape
    x = hidden_states.reshape(-1, h)
    T = x.shape[0]
    # Router (Identity pre_router_net, no bias, float32)
    logits = x @ router_w.T
    probs = jax.nn.softmax(logits, axis=-1)
    rw, sel = jax.lax.top_k(probs, K)
    rw = rw / jnp.sum(rw, axis=-1, keepdims=True)
    out = jnp.zeros_like(x)
    loads = jnp.zeros(E + SHARED, dtype=jnp.float32)
    for e in range(E):
        mask = (sel == e).any(axis=-1)
        loads = loads.at[e].set(jnp.sum(mask, dtype=jnp.float32))
        w = jnp.sum(jnp.where(sel == e, rw, 0.0), axis=-1)
        g = x @ Wg[e].T
        u = x @ Wu[e].T
        ye = (jax.nn.silu(g) * u) @ Wd[e].T
        out = out + ye * w[:, None]
    # shared expert(s)
    shared = (jax.nn.silu(x @ shared_wg.T) * (x @ shared_wu.T)) @ shared_wd.T
    out = out + shared / SHARED
    loads = loads.at[E].set(jnp.float32(T))
    final = out.reshape(b, s, h)
    loads_j = loads
    loads_n = loads_j / jnp.sum(loads_j)
    ideal = 1.0 / (E + SHARED)
    load_balance_loss = jnp.mean((loads_n - ideal) ** 2)
    router_z_loss = jnp.mean(jnp.sum(logits ** 2, axis=-1))
    total_loss = LB_W * load_balance_loss + Z_W * router_z_loss
    return (final, total_loss, load_balance_loss, router_z_loss)

if __name__ == "__main__":
    import jax
    _d = setup_inputs()
    print(jax.jit(kernel)(*tuple(_d.values())))

</pallas_src>

<mosaic_0001>
#map = affine_map<(d0, d1) -> (0)>
#map1 = affine_map<(d0, d1) -> (0, 0)>
module attributes {stable_mosaic.version = 14 : i64} {
  func.func @_ygather_body(%arg0: i32, %arg1: i32, %arg2: memref<2048xi32, #tpu.memory_space<hbm>>, %arg3: memref<2048xi32, #tpu.memory_space<hbm>>, %arg4: memref<6144x1024xf32, #tpu.memory_space<hbm>>, %arg5: memref<2048x1024xf32, #tpu.memory_space<hbm>>, %arg6: memref<2048x1024xf32, #tpu.memory_space<hbm>>, %arg7: memref<64xi32, #tpu.memory_space<vmem>>, %arg8: memref<64x1024xf32, #tpu.memory_space<vmem>>, %arg9: memref<!tpu.dma_semaphore, #tpu.memory_space<semaphore_mem>>) attributes {dimension_semantics = [#tpu.dimension_semantics<core_parallel>, #tpu.dimension_semantics<subcore_parallel>], iteration_bounds = array<i64: 2, 16>, scalar_prefetch = 0 : i64, scratch_operands = 3 : i64, tpu.core_type = #tpu.core_type<sc_vector_subcore>, window_params = [{transform_indices = #map}, {transform_indices = #map}, {transform_indices = #map1}, {transform_indices = #map1}, {transform_indices = #map1}]} {
    %mul3A = arith.constant 2 : i32
    %mul3A_0 = arith.muli %arg1, %mul3A : i32
    %add3A = arith.addi %mul3A_0, %arg0 : i32
    %mul3A_1 = arith.constant 64 : i32
    %mul3A_2 = arith.muli %add3A, %mul3A_1 : i32
    "tpu.region"() ({
      %run_scoped3A = tpu.sem_alloc : memref<!tpu.dma_semaphore, #tpu.memory_space<semaphore_mem>>
      %dma_start3A_25 = tpu.memref_slice %arg2[%mul3A_2] : memref<2048xi32, #tpu.memory_space<hbm>> -> memref<64xi32, #tpu.memory_space<hbm>>
      %dma_start3A_26 = tpu.memref_slice %arg2[%mul3A_2] : memref<2048xi32, #tpu.memory_space<hbm>> -> memref<64xi32, #tpu.memory_space<hbm>>
      tpu.enqueue_dma source(%dma_start3A_26 : memref<64xi32, #tpu.memory_space<hbm>>) target(%arg7 : memref<64xi32, #tpu.memory_space<vmem>>) target_semaphore(%run_scoped3A : memref<!tpu.dma_semaphore, #tpu.memory_space<semaphore_mem>>)
      %dma_wait3A_27 = tpu.memref_slice %arg2[%mul3A_2] : memref<2048xi32, #tpu.memory_space<hbm>> -> memref<64xi32, #tpu.memory_space<hbm>>
      %dma_wait3A_28 = tpu.memref_slice %arg2[%mul3A_2] : memref<2048xi32, #tpu.memory_space<hbm>> -> memref<64xi32, #tpu.memory_space<hbm>>
      tpu.wait_dma2 semaphore(%run_scoped3A : memref<!tpu.dma_semaphore, #tpu.memory_space<semaphore_mem>>) src(%dma_wait3A_28 : memref<64xi32, #tpu.memory_space<hbm>>) dst(%arg7 : memref<64xi32, #tpu.memory_space<vmem>>)
      tpu.yield
    }) : () -> ()
    %dma_start3A = arith.constant 0 : i32
    %dma_start3A_3 = tpu.memref_slice %arg7[%dma_start3A] : memref<64xi32, #tpu.memory_space<vmem>> -> memref<64xi32, #tpu.memory_space<vmem>>
    %dma_start3A_4 = arith.constant 0 : i32
    %dma_start3A_5 = arith.constant 0 : i32
    %dma_start3A_6 = tpu.memref_slice %arg4[%dma_start3A_4, %dma_start3A_5] : memref<6144x1024xf32, #tpu.memory_space<hbm>> -> memref<6144x1024xf32, #tpu.memory_space<hbm>>
    tpu.enqueue_indirect_dma source(%dma_start3A_6 : memref<6144x1024xf32, #tpu.memory_space<hbm>>) target(%arg8 : memref<64x1024xf32, #tpu.memory_space<vmem>>) offsets(%dma_start3A_3 : memref<64xi32, #tpu.memory_space<vmem>>) semaphore(%arg9 : memref<!tpu.dma_semaphore, #tpu.memory_space<semaphore_mem>>)
    %dma_wait3A = arith.constant 0 : i32
    %dma_wait3A_7 = tpu.memref_slice %arg7[%dma_wait3A] : memref<64xi32, #tpu.memory_space<vmem>> -> memref<64xi32, #tpu.memory_space<vmem>>
    %dma_wait3A_8 = arith.constant 0 : i32
    %dma_wait3A_9 = arith.constant 0 : i32
    %dma_wait3A_10 = tpu.memref_slice %arg4[%dma_wait3A_8, %dma_wait3A_9] : memref<6144x1024xf32, #tpu.memory_space<hbm>> -> memref<6144x1024xf32, #tpu.memory_space<hbm>>
    tpu.wait_indirect_dma semaphore(%arg9 : memref<!tpu.dma_semaphore, #tpu.memory_space<semaphore_mem>>) src(%dma_wait3A_10 : memref<6144x1024xf32, #tpu.memory_space<hbm>>) dst(%arg8 : memref<64x1024xf32, #tpu.memory_space<vmem>>)
    %add3A_11 = arith.constant 0 : i32
    %add3A_12 = arith.addi %mul3A_2, %add3A_11 : i32
    "tpu.region"() ({
      %run_scoped3A = tpu.sem_alloc : memref<!tpu.dma_semaphore, #tpu.memory_space<semaphore_mem>>
      %dma_start3A_25 = arith.constant 0 : i32
      %dma_start3A_26 = tpu.memref_slice %arg5[%add3A_12, %dma_start3A_25] : memref<2048x1024xf32, #tpu.memory_space<hbm>> -> memref<64x1024xf32, #tpu.memory_space<hbm>>
      %dma_start3A_27 = arith.constant 0 : i32
      %dma_start3A_28 = tpu.memref_slice %arg5[%add3A_12, %dma_start3A_27] : memref<2048x1024xf32, #tpu.memory_space<hbm>> -> memref<64x1024xf32, #tpu.memory_space<hbm>>
      tpu.enqueue_dma source(%arg8 : memref<64x1024xf32, #tpu.memory_space<vmem>>) target(%dma_start3A_28 : memref<64x1024xf32, #tpu.memory_space<hbm>>) target_semaphore(%run_scoped3A : memref<!tpu.dma_semaphore, #tpu.memory_space<semaphore_mem>>)
      %dma_wait3A_29 = arith.constant 0 : i32
      %dma_wait3A_30 = tpu.memref_slice %arg5[%add3A_12, %dma_wait3A_29] : memref<2048x1024xf32, #tpu.memory_space<hbm>> -> memref<64x1024xf32, #tpu.memory_space<hbm>>
      %dma_wait3A_31 = arith.constant 0 : i32
      %dma_wait3A_32 = tpu.memref_slice %arg5[%add3A_12, %dma_wait3A_31] : memref<2048x1024xf32, #tpu.memory_space<hbm>> -> memref<64x1024xf32, #tpu.memory_space<hbm>>
      tpu.wait_dma2 semaphore(%run_scoped3A : memref<!tpu.dma_semaphore, #tpu.memory_space<semaphore_mem>>) src(%arg8 : memref<64x1024xf32, #tpu.memory_space<vmem>>) dst(%dma_wait3A_32 : memref<64x1024xf32, #tpu.memory_space<hbm>>)
      tpu.yield
    }) : () -> ()
    "tpu.region"() ({
      %run_scoped3A = tpu.sem_alloc : memref<!tpu.dma_semaphore, #tpu.memory_space<semaphore_mem>>
      %dma_start3A_25 = tpu.memref_slice %arg3[%mul3A_2] : memref<2048xi32, #tpu.memory_space<hbm>> -> memref<64xi32, #tpu.memory_space<hbm>>
      %dma_start3A_26 = tpu.memref_slice %arg3[%mul3A_2] : memref<2048xi32, #tpu.memory_space<hbm>> -> memref<64xi32, #tpu.memory_space<hbm>>
      tpu.enqueue_dma source(%dma_start3A_26 : memref<64xi32, #tpu.memory_space<hbm>>) target(%arg7 : memref<64xi32, #tpu.memory_space<vmem>>) target_semaphore(%run_scoped3A : memref<!tpu.dma_semaphore, #tpu.memory_space<semaphore_mem>>)
      %dma_wait3A_27 = tpu.memref_slice %arg3[%mul3A_2] : memref<2048xi32, #tpu.memory_space<hbm>> -> memref<64xi32, #tpu.memory_space<hbm>>
      %dma_wait3A_28 = tpu.memref_slice %arg3[%mul3A_2] : memref<2048xi32, #tpu.memory_space<hbm>> -> memref<64xi32, #tpu.memory_space<hbm>>
      tpu.wait_dma2 semaphore(%run_scoped3A : memref<!tpu.dma_semaphore, #tpu.memory_space<semaphore_mem>>) src(%dma_wait3A_28 : memref<64xi32, #tpu.memory_space<hbm>>) dst(%arg7 : memref<64xi32, #tpu.memory_space<vmem>>)
      tpu.yield
    }) : () -> ()
    %dma_start3A_13 = arith.constant 0 : i32
    %dma_start3A_14 = tpu.memref_slice %arg7[%dma_start3A_13] : memref<64xi32, #tpu.memory_space<vmem>> -> memref<64xi32, #tpu.memory_space<vmem>>
    %dma_start3A_15 = arith.constant 0 : i32
    %dma_start3A_16 = arith.constant 0 : i32
    %dma_start3A_17 = tpu.memref_slice %arg4[%dma_start3A_15, %dma_start3A_16] : memref<6144x1024xf32, #tpu.memory_space<hbm>> -> memref<6144x1024xf32, #tpu.memory_space<hbm>>
    tpu.enqueue_indirect_dma source(%dma_start3A_17 : memref<6144x1024xf32, #tpu.memory_space<hbm>>) target(%arg8 : memref<64x1024xf32, #tpu.memory_space<vmem>>) offsets(%dma_start3A_14 : memref<64xi32, #tpu.memory_space<vmem>>) semaphore(%arg9 : memref<!tpu.dma_semaphore, #tpu.memory_space<semaphore_mem>>)
    %dma_wait3A_18 = arith.constant 0 : i32
    %dma_wait3A_19 = tpu.memref_slice %arg7[%dma_wait3A_18] : memref<64xi32, #tpu.memory_space<vmem>> -> memref<64xi32, #tpu.memory_space<vmem>>
    %dma_wait3A_20 = arith.constant 0 : i32
    %dma_wait3A_21 = arith.constant 0 : i32
    %dma_wait3A_22 = tpu.memref_slice %arg4[%dma_wait3A_20, %dma_wait3A_21] : memref<6144x1024xf32, #tpu.memory_space<hbm>> -> memref<6144x1024xf32, #tpu.memory_space<hbm>>
    tpu.wait_indirect_dma semaphore(%arg9 : memref<!tpu.dma_semaphore, #tpu.memory_space<semaphore_mem>>) src(%dma_wait3A_22 : memref<6144x1024xf32, #tpu.memory_space<hbm>>) dst(%arg8 : memref<64x1024xf32, #tpu.memory_space<vmem>>)
    %add3A_23 = arith.constant 0 : i32
    %add3A_24 = arith.addi %mul3A_2, %add3A_23 : i32
    "tpu.region"() ({
      %run_scoped3A = tpu.sem_alloc : memref<!tpu.dma_semaphore, #tpu.memory_space<semaphore_mem>>
      %dma_start3A_25 = arith.constant 0 : i32
      %dma_start3A_26 = tpu.memref_slice %arg6[%add3A_24, %dma_start3A_25] : memref<2048x1024xf32, #tpu.memory_space<hbm>> -> memref<64x1024xf32, #tpu.memory_space<hbm>>
      %dma_start3A_27 = arith.constant 0 : i32
      %dma_start3A_28 = tpu.memref_slice %arg6[%add3A_24, %dma_start3A_27] : memref<2048x1024xf32, #tpu.memory_space<hbm>> -> memref<64x1024xf32, #tpu.memory_space<hbm>>
      tpu.enqueue_dma source(%arg8 : memref<64x1024xf32, #tpu.memory_space<vmem>>) target(%dma_start3A_28 : memref<64x1024xf32, #tpu.memory_space<hbm>>) target_semaphore(%run_scoped3A : memref<!tpu.dma_semaphore, #tpu.memory_space<semaphore_mem>>)
      %dma_wait3A_29 = arith.constant 0 : i32
      %dma_wait3A_30 = tpu.memref_slice %arg6[%add3A_24, %dma_wait3A_29] : memref<2048x1024xf32, #tpu.memory_space<hbm>> -> memref<64x1024xf32, #tpu.memory_space<hbm>>
      %dma_wait3A_31 = arith.constant 0 : i32
      %dma_wait3A_32 = tpu.memref_slice %arg6[%add3A_24, %dma_wait3A_31] : memref<2048x1024xf32, #tpu.memory_space<hbm>> -> memref<64x1024xf32, #tpu.memory_space<hbm>>
      tpu.wait_dma2 semaphore(%run_scoped3A : memref<!tpu.dma_semaphore, #tpu.memory_space<semaphore_mem>>) src(%arg8 : memref<64x1024xf32, #tpu.memory_space<vmem>>) dst(%dma_wait3A_32 : memref<64x1024xf32, #tpu.memory_space<hbm>>)
      tpu.yield
    }) : () -> ()
    return
  }
}

#map = affine_map<(d0, d1) -> (0)>
#map1 = affine_map<(d0, d1) -> (0, 0)>
module attributes {stable_mosaic.version = 14 : i64} {
  func.func @_dispatch_body(%arg0: i32, %arg1: i32, %arg2: memref<2048xi32, #tpu.memory_space<hbm>>, %arg3: memref<2048xi32, #tpu.memory_space<hbm>>, %arg4: memref<2048x1024xf32, #tpu.memory_space<hbm>>, %arg5: memref<6144x1024xf32, #tpu.memory_space<hbm>>, %arg6: memref<64xi32, #tpu.memory_space<vmem>>, %arg7: memref<64xi32, #tpu.memory_space<vmem>>, %arg8: memref<64x1024xf32, #tpu.memory_space<vmem>>, %arg9: memref<!tpu.dma_semaphore, #tpu.memory_space<semaphore_mem>>, %arg10: memref<!tpu.dma_semaphore, #tpu.memory_space<semaphore_mem>>) attributes {dimension_semantics = [#tpu.dimension_semantics<core_parallel>, #tpu.dimension_semantics<subcore_parallel>], iteration_bounds = array<i64: 2, 16>, scalar_prefetch = 0 : i64, scratch_operands = 5 : i64, tpu.core_type = #tpu.core_type<sc_vector_subcore>, window_params = [{transform_indices = #map}, {transform_indices = #map}, {transform_indices = #map1}, {transform_indices = #map1}]} {
    %mul3A = arith.constant 2 : i32
    %mul3A_0 = arith.muli %arg1, %mul3A : i32
    %add3A = arith.addi %mul3A_0, %arg0 : i32
    %mul3A_1 = arith.constant 64 : i32
    %mul3A_2 = arith.muli %add3A, %mul3A_1 : i32
    "tpu.region"() ({
      %run_scoped3A = tpu.sem_alloc : memref<!tpu.dma_semaphore, #tpu.memory_space<semaphore_mem>>
      %dma_start3A_13 = tpu.memref_slice %arg2[%mul3A_2] : memref<2048xi32, #tpu.memory_space<hbm>> -> memref<64xi32, #tpu.memory_space<hbm>>
      %dma_start3A_14 = tpu.memref_slice %arg2[%mul3A_2] : memref<2048xi32, #tpu.memory_space<hbm>> -> memref<64xi32, #tpu.memory_space<hbm>>
      tpu.enqueue_dma source(%dma_start3A_14 : memref<64xi32, #tpu.memory_space<hbm>>) target(%arg6 : memref<64xi32, #tpu.memory_space<vmem>>) target_semaphore(%run_scoped3A : memref<!tpu.dma_semaphore, #tpu.memory_space<semaphore_mem>>)
      %dma_wait3A_15 = tpu.memref_slice %arg2[%mul3A_2] : memref<2048xi32, #tpu.memory_space<hbm>> -> memref<64xi32, #tpu.memory_space<hbm>>
      %dma_wait3A_16 = tpu.memref_slice %arg2[%mul3A_2] : memref<2048xi32, #tpu.memory_space<hbm>> -> memref<64xi32, #tpu.memory_space<hbm>>
      tpu.wait_dma2 semaphore(%run_scoped3A : memref<!tpu.dma_semaphore, #tpu.memory_space<semaphore_mem>>) src(%dma_wait3A_16 : memref<64xi32, #tpu.memory_space<hbm>>) dst(%arg6 : memref<64xi32, #tpu.memory_space<vmem>>)
      tpu.yield
    }) : () -> ()
    "tpu.region"() ({
      %run_scoped3A = tpu.sem_alloc : memref<!tpu.dma_semaphore, #tpu.memory_space<semaphore_mem>>
      %dma_start3A_13 = tpu.memref_slice %arg3[%mul3A_2] : memref<2048xi32, #tpu.memory_space<hbm>> -> memref<64xi32, #tpu.memory_space<hbm>>
      %dma_start3A_14 = tpu.memref_slice %arg3[%mul3A_2] : memref<2048xi32, #tpu.memory_space<hbm>> -> memref<64xi32, #tpu.memory_space<hbm>>
      tpu.enqueue_dma source(%dma_start3A_14 : memref<64xi32, #tpu.memory_space<hbm>>) target(%arg7 : memref<64xi32, #tpu.memory_space<vmem>>) target_semaphore(%run_scoped3A : memref<!tpu.dma_semaphore, #tpu.memory_space<semaphore_mem>>)
      %dma_wait3A_15 = tpu.memref_slice %arg3[%mul3A_2] : memref<2048xi32, #tpu.memory_space<hbm>> -> memref<64xi32, #tpu.memory_space<hbm>>
      %dma_wait3A_16 = tpu.memref_slice %arg3[%mul3A_2] : memref<2048xi32, #tpu.memory_space<hbm>> -> memref<64xi32, #tpu.memory_space<hbm>>
      tpu.wait_dma2 semaphore(%run_scoped3A : memref<!tpu.dma_semaphore, #tpu.memory_space<semaphore_mem>>) src(%dma_wait3A_16 : memref<64xi32, #tpu.memory_space<hbm>>) dst(%arg7 : memref<64xi32, #tpu.memory_space<vmem>>)
      tpu.yield
    }) : () -> ()
    "tpu.region"() ({
      %run_scoped3A = tpu.sem_alloc : memref<!tpu.dma_semaphore, #tpu.memory_space<semaphore_mem>>
      %dma_start3A_13 = arith.constant 0 : i32
      %dma_start3A_14 = tpu.memref_slice %arg4[%mul3A_2, %dma_start3A_13] : memref<2048x1024xf32, #tpu.memory_space<hbm>> -> memref<64x1024xf32, #tpu.memory_space<hbm>>
      %dma_start3A_15 = arith.constant 0 : i32
      %dma_start3A_16 = tpu.memref_slice %arg4[%mul3A_2, %dma_start3A_15] : memref<2048x1024xf32, #tpu.memory_space<hbm>> -> memref<64x1024xf32, #tpu.memory_space<hbm>>
      tpu.enqueue_dma source(%dma_start3A_16 : memref<64x1024xf32, #tpu.memory_space<hbm>>) target(%arg8 : memref<64x1024xf32, #tpu.memory_space<vmem>>) target_semaphore(%run_scoped3A : memref<!tpu.dma_semaphore, #tpu.memory_space<semaphore_mem>>)
      %dma_wait3A_17 = arith.constant 0 : i32
      %dma_wait3A_18 = tpu.memref_slice %arg4[%mul3A_2, %dma_wait3A_17] : memref<2048x1024xf32, #tpu.memory_space<hbm>> -> memref<64x1024xf32, #tpu.memory_space<hbm>>
      %dma_wait3A_19 = arith.constant 0 : i32
      %dma_wait3A_20 = tpu.memref_slice %arg4[%mul3A_2, %dma_wait3A_19] : memref<2048x1024xf32, #tpu.memory_space<hbm>> -> memref<64x1024xf32, #tpu.memory_space<hbm>>
      tpu.wait_dma2 semaphore(%run_scoped3A : memref<!tpu.dma_semaphore, #tpu.memory_space<semaphore_mem>>) src(%dma_wait3A_20 : memref<64x1024xf32, #tpu.memory_space<hbm>>) dst(%arg8 : memref<64x1024xf32, #tpu.memory_space<vmem>>)
      tpu.yield
    }) : () -> ()
    %dma_start3A = arith.constant 0 : i32
    %dma_start3A_3 = arith.constant 0 : i32
    %dma_start3A_4 = tpu.memref_slice %arg5[%dma_start3A, %dma_start3A_3] : memref<6144x1024xf32, #tpu.memory_space<hbm>> -> memref<6144x1024xf32, #tpu.memory_space<hbm>>
    tpu.enqueue_indirect_dma source(%arg8 : memref<64x1024xf32, #tpu.memory_space<vmem>>) target(%dma_start3A_4 : memref<6144x1024xf32, #tpu.memory_space<hbm>>) offsets(%arg6 : memref<64xi32, #tpu.memory_space<vmem>>) semaphore(%arg9 : memref<!tpu.dma_semaphore, #tpu.memory_space<semaphore_mem>>)
    %dma_start3A_5 = arith.constant 0 : i32
    %dma_start3A_6 = arith.constant 0 : i32
    %dma_start3A_7 = tpu.memref_slice %arg5[%dma_start3A_5, %dma_start3A_6] : memref<6144x1024xf32, #tpu.memory_space<hbm>> -> memref<6144x1024xf32, #tpu.memory_space<hbm>>
    tpu.enqueue_indirect_dma source(%arg8 : memref<64x1024xf32, #tpu.memory_space<vmem>>) target(%dma_start3A_7 : memref<6144x1024xf32, #tpu.memory_space<hbm>>) offsets(%arg7 : memref<64xi32, #tpu.memory_space<vmem>>) semaphore(%arg10 : memref<!tpu.dma_semaphore, #tpu.memory_space<semaphore_mem>>)
    %dma_wait3A = arith.constant 0 : i32
    %dma_wait3A_8 = arith.constant 0 : i32
    %dma_wait3A_9 = tpu.memref_slice %arg5[%dma_wait3A, %dma_wait3A_8] : memref<6144x1024xf32, #tpu.memory_space<hbm>> -> memref<6144x1024xf32, #tpu.memory_space<hbm>>
    tpu.wait_indirect_dma semaphore(%arg9 : memref<!tpu.dma_semaphore, #tpu.memory_space<semaphore_mem>>) src(%arg8 : memref<64x1024xf32, #tpu.memory_space<vmem>>) dst(%dma_wait3A_9 : memref<6144x1024xf32, #tpu.memory_space<hbm>>)
    %dma_wait3A_10 = arith.constant 0 : i32
    %dma_wait3A_11 = arith.constant 0 : i32
    %dma_wait3A_12 = tpu.memref_slice %arg5[%dma_wait3A_10, %dma_wait3A_11] : memref<6144x1024xf32, #tpu.memory_space<hbm>> -> memref<6144x1024xf32, #tpu.memory_space<hbm>>
    tpu.wait_indirect_dma semaphore(%arg10 : memref<!tpu.dma_semaphore, #tpu.memory_space<semaphore_mem>>) src(%arg8 : memref<64x1024xf32, #tpu.memory_space<vmem>>) dst(%dma_wait3A_12 : memref<6144x1024xf32, #tpu.memory_space<hbm>>)
    return
  }
}

module attributes {stable_mosaic.version = 14 : i64} {
  func.func @_shared_body(%arg0: i32, %arg1: memref<256x1024xf32, #tpu.memory_space<vmem>>, %arg2: memref<2048x1024xf32, #tpu.memory_space<vmem>>, %arg3: memref<2048x1024xf32, #tpu.memory_space<vmem>>, %arg4: memref<1024x2048xf32, #tpu.memory_space<vmem>>, %arg5: memref<256x1024xf32, #tpu.memory_space<vmem>>, %arg6: memref<256x1024xf32, #tpu.memory_space<vmem>>, %arg7: memref<256x1xf32, #tpu.memory_space<vmem>>, %arg8: memref<256x1xf32, #tpu.memory_space<vmem>>, %arg9: memref<256x1024xf32, #tpu.memory_space<vmem>>) attributes {dimension_semantics = [#tpu.dimension_semantics<arbitrary>], iteration_bounds = array<i64: 8>, scalar_prefetch = 0 : i64, scratch_operands = 0 : i64, tpu.core_type = #tpu.core_type<tc>, window_params = [{transform_indices = @transform_0, window_bounds = array<i64: 256, 1024>}, {pipeline_mode = #tpu.pipeline_mode<synchronous>, transform_indices = @transform_1, window_bounds = array<i64: 2048, 1024>}, {pipeline_mode = #tpu.pipeline_mode<synchronous>, transform_indices = @transform_2, window_bounds = array<i64: 2048, 1024>}, {pipeline_mode = #tpu.pipeline_mode<synchronous>, transform_indices = @transform_3, window_bounds = array<i64: 1024, 2048>}, {transform_indices = @transform_4, window_bounds = array<i64: 256, 1024>}, {transform_indices = @transform_5, window_bounds = array<i64: 256, 1024>}, {transform_indices = @transform_6, window_bounds = array<i64: 256, 1>}, {transform_indices = @transform_7, window_bounds = array<i64: 256, 1>}, {transform_indices = @transform_8, window_bounds = array<i64: 256, 1024>}]} {
    %get3A = arith.constant 0 : index
    %get3A_0 = arith.constant 0 : index
    %get3A_1 = vector.load %arg1[%get3A, %get3A_0] : memref<256x1024xf32, #tpu.memory_space<vmem>>, vector<256x1024xf32>
    %get3A_2 = arith.constant 0 : index
    %get3A_3 = arith.constant 0 : index
    %get3A_4 = vector.load %arg2[%get3A_2, %get3A_3] : memref<2048x1024xf32, #tpu.memory_space<vmem>>, vector<2048x1024xf32>
    %dot_general3A = arith.constant dense<0.000000e+00> : vector<256x2048xf32>
    %dot_general3A_5 = tpu.matmul %get3A_1, %get3A_4, %dot_general3A {dimension_numbers = #tpu.dot_dimension_numbers<[1], [1], [0], [0], [0, 0, 1, 0], [], []>, transpose_lhs_hint = false} : vector<256x1024xf32>, vector<2048x1024xf32>, vector<256x2048xf32> -> vector<256x2048xf32>
    %get3A_6 = arith.constant 0 : index
    %get3A_7 = arith.constant 0 : index
    %get3A_8 = vector.load %arg3[%get3A_6, %get3A_7] : memref<2048x1024xf32, #tpu.memory_space<vmem>>, vector<2048x1024xf32>
    %dot_general3A_9 = arith.constant dense<0.000000e+00> : vector<256x2048xf32>
    %dot_general3A_10 = tpu.matmul %get3A_1, %get3A_8, %dot_general3A_9 {dimension_numbers = #tpu.dot_dimension_numbers<[1], [1], [0], [0], [0, 0, 1, 0], [], []>, transpose_lhs_hint = false} : vector<256x1024xf32>, vector<2048x1024xf32>, vector<256x2048xf32> -> vector<256x2048xf32>
    %logistic3A = arith.negf %dot_general3A_5 : vector<256x2048xf32>
    %logistic3A_11 = math.exp %logistic3A : vector<256x2048xf32>
    %logistic3A_12 = arith.constant 1.000000e+00 : f32
    %logistic3A_13 = vector.broadcast %logistic3A_12 : f32 to vector<256x2048xf32>
    %logistic3A_14 = arith.addf %logistic3A_13, %logistic3A_11 : vector<256x2048xf32>
    %logistic3A_15 = arith.divf %logistic3A_13, %logistic3A_14 : vector<256x2048xf32>
    %mul3A = arith.mulf %dot_general3A_5, %logistic3A_15 : vector<256x2048xf32>
    %mul3A_16 = arith.mulf %mul3A, %dot_general3A_10 : vector<256x2048xf32>
    %get3A_17 = arith.constant 0 : index
    %get3A_18 = arith.constant 0 : index
    %get3A_19 = vector.load %arg4[%get3A_17, %get3A_18] : memref<1024x2048xf32, #tpu.memory_space<vmem>>, vector<1024x2048xf32>
    %dot_general3A_20 = arith.constant dense<0.000000e+00> : vector<256x1024xf32>
    %dot_general3A_21 = tpu.matmul %mul3A_16, %get3A_19, %dot_general3A_20 {dimension_numbers = #tpu.dot_dimension_numbers<[1], [1], [0], [0], [0, 0, 1, 0], [], []>, transpose_lhs_hint = false} : vector<256x2048xf32>, vector<1024x2048xf32>, vector<256x1024xf32> -> vector<256x1024xf32>
    %get3A_22 = arith.constant 0 : index
    %get3A_23 = arith.constant 0 : index
    %get3A_24 = vector.load %arg7[%get3A_22, %get3A_23] : memref<256x1xf32, #tpu.memory_space<vmem>>, vector<256x1xf32>
    %get3A_25 = arith.constant 0 : index
    %get3A_26 = arith.constant 0 : index
    %get3A_27 = vector.load %arg5[%get3A_25, %get3A_26] : memref<256x1024xf32, #tpu.memory_space<vmem>>, vector<256x1024xf32>
    %mul3A_28 = vector.broadcast %get3A_24 : vector<256x1xf32> to vector<256x1024xf32>
    %mul3A_29 = arith.mulf %mul3A_28, %get3A_27 : vector<256x1024xf32>
    %add3A = arith.addf %dot_general3A_21, %mul3A_29 : vector<256x1024xf32>
    %get3A_30 = arith.constant 0 : index
    %get3A_31 = arith.constant 0 : index
    %get3A_32 = vector.load %arg8[%get3A_30, %get3A_31] : memref<256x1xf32, #tpu.memory_space<vmem>>, vector<256x1xf32>
    %get3A_33 = arith.constant 0 : index
    %get3A_34 = arith.constant 0 : index
    %get3A_35 = vector.load %arg6[%get3A_33, %get3A_34] : memref<256x1024xf32, #tpu.memory_space<vmem>>, vector<256x1024xf32>
    %mul3A_36 = vector.broadcast %get3A_32 : vector<256x1xf32> to vector<256x1024xf32>
    %mul3A_37 = arith.mulf %mul3A_36, %get3A_35 : vector<256x1024xf32>
    %add3A_38 = arith.addf %add3A, %mul3A_37 : vector<256x1024xf32>
    %swap3A = arith.constant 0 : index
    %swap3A_39 = arith.constant 0 : index
    %swap3A_40 = vector.load %arg9[%swap3A, %swap3A_39] : memref<256x1024xf32, #tpu.memory_space<vmem>>, vector<256x1024xf32>
    tpu.vector_store %arg9[%swap3A, %swap3A_39], %add3A_38 {strides = array<i32>} : memref<256x1024xf32, #tpu.memory_space<vmem>>, vector<256x1024xf32>,
    return
  }
  func.func @transform_0(%arg0: i32) -> (i32, i32) {
    %c0_i32 = arith.constant 0 : i32
    %c0_i32_0 = arith.constant 0 : i32
    return %arg0, %c0_i32 : i32, i32
  }
  func.func @transform_1(%arg0: i32) -> (i32, i32) {
    %c0_i32 = arith.constant 0 : i32
    %c0_i32_0 = arith.constant 0 : i32
    %c0_i32_1 = arith.constant 0 : i32
    return %c0_i32, %c0_i32_0 : i32, i32
  }
  func.func @transform_2(%arg0: i32) -> (i32, i32) {
    %c0_i32 = arith.constant 0 : i32
    %c0_i32_0 = arith.constant 0 : i32
    %c0_i32_1 = arith.constant 0 : i32
    return %c0_i32, %c0_i32_0 : i32, i32
  }
  func.func @transform_3(%arg0: i32) -> (i32, i32) {
    %c0_i32 = arith.constant 0 : i32
    %c0_i32_0 = arith.constant 0 : i32
    %c0_i32_1 = arith.constant 0 : i32
    return %c0_i32, %c0_i32_0 : i32, i32
  }
  func.func @transform_4(%arg0: i32) -> (i32, i32) {
    %c0_i32 = arith.constant 0 : i32
    %c0_i32_0 = arith.constant 0 : i32
    return %arg0, %c0_i32 : i32, i32
  }
  func.func @transform_5(%arg0: i32) -> (i32, i32) {
    %c0_i32 = arith.constant 0 : i32
    %c0_i32_0 = arith.constant 0 : i32
    return %arg0, %c0_i32 : i32, i32
  }
  func.func @transform_6(%arg0: i32) -> (i32, i32) {
    %c0_i32 = arith.constant 0 : i32
    %c0_i32_0 = arith.constant 0 : i32
    return %arg0, %c0_i32 : i32, i32
  }
  func.func @transform_7(%arg0: i32) -> (i32, i32) {
    %c0_i32 = arith.constant 0 : i32
    %c0_i32_0 = arith.constant 0 : i32
    return %arg0, %c0_i32 : i32, i32
  }
  func.func @transform_8(%arg0: i32) -> (i32, i32) {
    %c0_i32 = arith.constant 0 : i32
    %c0_i32_0 = arith.constant 0 : i32
    return %arg0, %c0_i32 : i32, i32
  }
}

module attributes {stable_mosaic.version = 14 : i64} {
  func.func @_ffn_body(%arg0: i32, %arg1: memref<24xi32, #tpu.memory_space<smem>>, %arg2: memref<256x1024xf32, #tpu.memory_space<vmem>>, %arg3: memref<1x2048x1024xf32, #tpu.memory_space<vmem>>, %arg4: memref<1x2048x1024xf32, #tpu.memory_space<vmem>>, %arg5: memref<1x1024x2048xf32, #tpu.memory_space<vmem>>, %arg6: memref<256x1024xf32, #tpu.memory_space<vmem>>) attributes {dimension_semantics = [#tpu.dimension_semantics<arbitrary>], iteration_bounds = array<i64: 24>, scalar_prefetch = 1 : i64, scratch_operands = 0 : i64, tpu.core_type = #tpu.core_type<tc>, window_params = [{transform_indices = @transform_0, window_bounds = array<i64: 256, 1024>}, {transform_indices = @transform_1, window_bounds = array<i64: 1, 2048, 1024>}, {transform_indices = @transform_2, window_bounds = array<i64: 1, 2048, 1024>}, {transform_indices = @transform_3, window_bounds = array<i64: 1, 1024, 2048>}, {transform_indices = @transform_4, window_bounds = array<i64: 256, 1024>}]} {
    %get3A = arith.constant 0 : index
    %get3A_0 = arith.constant 0 : index
    %get3A_1 = vector.load %arg2[%get3A, %get3A_0] : memref<256x1024xf32, #tpu.memory_space<vmem>>, vector<256x1024xf32>
    %get3A_2 = arith.constant 0 : index
    %get3A_3 = arith.constant 0 : index
    %get3A_4 = arith.constant 0 : index
    %get3A_5 = vector.load %arg3[%get3A_2, %get3A_3, %get3A_4] : memref<1x2048x1024xf32, #tpu.memory_space<vmem>>, vector<1x2048x1024xf32>
    %get3A_6 = vector.shape_cast %get3A_5 : vector<1x2048x1024xf32> to vector<2048x1024xf32>
    %dot_general3A = arith.constant dense<0.000000e+00> : vector<256x2048xf32>
    %dot_general3A_7 = tpu.matmul %get3A_1, %get3A_6, %dot_general3A {dimension_numbers = #tpu.dot_dimension_numbers<[1], [1], [0], [0], [0, 0, 1, 0], [], []>, transpose_lhs_hint = false} : vector<256x1024xf32>, vector<2048x1024xf32>, vector<256x2048xf32> -> vector<256x2048xf32>
    %get3A_8 = arith.constant 0 : index
    %get3A_9 = arith.constant 0 : index
    %get3A_10 = arith.constant 0 : index
    %get3A_11 = vector.load %arg4[%get3A_8, %get3A_9, %get3A_10] : memref<1x2048x1024xf32, #tpu.memory_space<vmem>>, vector<1x2048x1024xf32>
    %get3A_12 = vector.shape_cast %get3A_11 : vector<1x2048x1024xf32> to vector<2048x1024xf32>
    %dot_general3A_13 = arith.constant dense<0.000000e+00> : vector<256x2048xf32>
    %dot_general3A_14 = tpu.matmul %get3A_1, %get3A_12, %dot_general3A_13 {dimension_numbers = #tpu.dot_dimension_numbers<[1], [1], [0], [0], [0, 0, 1, 0], [], []>, transpose_lhs_hint = false} : vector<256x1024xf32>, vector<2048x1024xf32>, vector<256x2048xf32> -> vector<256x2048xf32>
    %logistic3A = arith.negf %dot_general3A_7 : vector<256x2048xf32>
    %logistic3A_15 = math.exp %logistic3A : vector<256x2048xf32>
    %logistic3A_16 = arith.constant 1.000000e+00 : f32
    %logistic3A_17 = vector.broadcast %logistic3A_16 : f32 to vector<256x2048xf32>
    %logistic3A_18 = arith.addf %logistic3A_17, %logistic3A_15 : vector<256x2048xf32>
    %logistic3A_19 = arith.divf %logistic3A_17, %logistic3A_18 : vector<256x2048xf32>
    %mul3A = arith.mulf %dot_general3A_7, %logistic3A_19 : vector<256x2048xf32>
    %mul3A_20 = arith.mulf %mul3A, %dot_general3A_14 : vector<256x2048xf32>
    %get3A_21 = arith.constant 0 : index
    %get3A_22 = arith.constant 0 : index
    %get3A_23 = arith.constant 0 : index
    %get3A_24 = vector.load %arg5[%get3A_21, %get3A_22, %get3A_23] : memref<1x1024x2048xf32, #tpu.memory_space<vmem>>, vector<1x1024x2048xf32>
    %get3A_25 = vector.shape_cast %get3A_24 : vector<1x1024x2048xf32> to vector<1024x2048xf32>
    %dot_general3A_26 = arith.constant dense<0.000000e+00> : vector<256x1024xf32>
    %dot_general3A_27 = tpu.matmul %mul3A_20, %get3A_25, %dot_general3A_26 {dimension_numbers = #tpu.dot_dimension_numbers<[1], [1], [0], [0], [0, 0, 1, 0], [], []>, transpose_lhs_hint = false} : vector<256x2048xf32>, vector<1024x2048xf32>, vector<256x1024xf32> -> vector<256x1024xf32>
    %swap3A = arith.constant 0 : index
    %swap3A_28 = arith.constant 0 : index
    %swap3A_29 = vector.load %arg6[%swap3A, %swap3A_28] : memref<256x1024xf32, #tpu.memory_space<vmem>>, vector<256x1024xf32>
    tpu.vector_store %arg6[%swap3A, %swap3A_28], %dot_general3A_27 {strides = array<i32>} : memref<256x1024xf32, #tpu.memory_space<vmem>>, vector<256x1024xf32>,
    return
  }
  func.func @transform_0(%arg0: i32, %arg1: memref<24xi32, #tpu.memory_space<smem>>) -> (i32, i32) {
    %c0_i32 = arith.constant 0 : i32
    %c0_i32_0 = arith.constant 0 : i32
    return %arg0, %c0_i32 : i32, i32
  }
  func.func @transform_1(%arg0: i32, %arg1: memref<24xi32, #tpu.memory_space<smem>>) -> (i32, i32, i32) {
    %get3A = arith.index_cast %arg0 : i32 to index
    %get3A_0 = memref.load %arg1[%get3A] : memref<24xi32, #tpu.memory_space<smem>>
    %c0_i32 = arith.constant 0 : i32
    %c0_i32_1 = arith.constant 0 : i32
    %c0_i32_2 = arith.constant 0 : i32
    return %get3A_0, %c0_i32, %c0_i32_1 : i32, i32, i32
  }
  func.func @transform_2(%arg0: i32, %arg1: memref<24xi32, #tpu.memory_space<smem>>) -> (i32, i32, i32) {
    %get3A = arith.index_cast %arg0 : i32 to index
    %get3A_0 = memref.load %arg1[%get3A] : memref<24xi32, #tpu.memory_space<smem>>
    %c0_i32 = arith.constant 0 : i32
    %c0_i32_1 = arith.constant 0 : i32
    %c0_i32_2 = arith.constant 0 : i32
    return %get3A_0, %c0_i32, %c0_i32_1 : i32, i32, i32
  }
  func.func @transform_3(%arg0: i32, %arg1: memref<24xi32, #tpu.memory_space<smem>>) -> (i32, i32, i32) {
    %get3A = arith.index_cast %arg0 : i32 to index
    %get3A_0 = memref.load %arg1[%get3A] : memref<24xi32, #tpu.memory_space<smem>>
    %c0_i32 = arith.constant 0 : i32
    %c0_i32_1 = arith.constant 0 : i32
    %c0_i32_2 = arith.constant 0 : i32
    return %get3A_0, %c0_i32, %c0_i32_1 : i32, i32, i32
  }
  func.func @transform_4(%arg0: i32, %arg1: memref<24xi32, #tpu.memory_space<smem>>) -> (i32, i32) {
    %c0_i32 = arith.constant 0 : i32
    %c0_i32_0 = arith.constant 0 : i32
    return %arg0, %c0_i32 : i32, i32
  }
}

module attributes {stable_mosaic.version = 14 : i64} {
  func.func @_router_body(%arg0: memref<2048x1024xf32, #tpu.memory_space<vmem>>, %arg1: memref<8x1024xf32, #tpu.memory_space<vmem>>, %arg2: memref<1x2048xi32, #tpu.memory_space<vmem>>, %arg3: memref<1x2048xi32, #tpu.memory_space<vmem>>, %arg4: memref<2048x1xf32, #tpu.memory_space<vmem>>, %arg5: memref<2048x1xf32, #tpu.memory_space<vmem>>, %arg6: memref<1x24xi32, #tpu.memory_space<vmem>>, %arg7: memref<1x1xf32, #tpu.memory_space<vmem>>, %arg8: memref<1x1xf32, #tpu.memory_space<vmem>>, %arg9: memref<1x1xf32, #tpu.memory_space<vmem>>) attributes {dimension_semantics = [], scalar_prefetch = 0 : i64, scratch_operands = 0 : i64, tpu.core_type = #tpu.core_type<tc>} {
    %get3A = arith.constant 0 : index
    %get3A_0 = arith.constant 0 : index
    %get3A_1 = vector.load %arg0[%get3A, %get3A_0] : memref<2048x1024xf32, #tpu.memory_space<vmem>>, vector<2048x1024xf32>
    %get3A_2 = arith.constant 0 : index
    %get3A_3 = arith.constant 0 : index
    %get3A_4 = vector.load %arg1[%get3A_2, %get3A_3] : memref<8x1024xf32, #tpu.memory_space<vmem>>, vector<8x1024xf32>
    %dot_general3A = arith.constant dense<0.000000e+00> : vector<2048x8xf32>
    %dot_general3A_5 = tpu.matmul %get3A_1, %get3A_4, %dot_general3A {dimension_numbers = #tpu.dot_dimension_numbers<[1], [1], [0], [0], [0, 0, 1, 0], [], []>, transpose_lhs_hint = false} : vector<2048x1024xf32>, vector<8x1024xf32>, vector<2048x8xf32> -> vector<2048x8xf32>
    %mul3A = arith.mulf %dot_general3A_5, %dot_general3A_5 : vector<2048x8xf32>
    %reduce_sum3A = vector.shape_cast %mul3A : vector<2048x8xf32> to vector<1x2048x8xf32>
    %reduce_sum3A_6 = arith.constant dense<0.000000e+00> : vector<1xf32>
    %reduce_sum3A_7 = vector.multi_reduction <add>, %reduce_sum3A, %reduce_sum3A_6 [1, 2] : vector<1x2048x8xf32> to vector<1xf32>
    %reduce_sum3A_8 = vector.shape_cast %reduce_sum3A_7 : vector<1xf32> to vector<1x1x1xf32>
    %reduce_sum3A_9 = vector.extract %reduce_sum3A_8[0, 0, 0] : f32 from vector<1x1x1xf32>
    %reduce_max3A = arith.constant dense<0xFF800000> : vector<2048xf32>
    %reduce_max3A_10 = vector.multi_reduction <maximumf>, %dot_general3A_5, %reduce_max3A [1] : vector<2048x8xf32> to vector<2048xf32>
    %broadcast_in_dim3A = vector.shape_cast %reduce_max3A_10 : vector<2048xf32> to vector<2048x1xf32>
    %sub3A = vector.broadcast %broadcast_in_dim3A : vector<2048x1xf32> to vector<2048x8xf32>
    %sub3A_11 = arith.subf %dot_general3A_5, %sub3A : vector<2048x8xf32>
    %exp3A = math.exp %sub3A_11 : vector<2048x8xf32>
    %reduce_sum3A_12 = arith.constant dense<0.000000e+00> : vector<2048xf32>
    %reduce_sum3A_13 = vector.multi_reduction <add>, %exp3A, %reduce_sum3A_12 [1] : vector<2048x8xf32> to vector<2048xf32>
    %broadcast_in_dim3A_14 = vector.shape_cast %reduce_sum3A_13 : vector<2048xf32> to vector<2048x1xf32>
    %div3A = vector.broadcast %broadcast_in_dim3A_14 : vector<2048x1xf32> to vector<2048x8xf32>
    %div3A_15 = arith.divf %exp3A, %div3A : vector<2048x8xf32>
    %iota3A = tpu.iota {dimensions = array<i32: 1>} : vector<2048x8xi32>
    %argmax3A = tpu.reduce_index %div3A_15 {axis = 1 : i32, kind = #tpu.reduction_kind<arg_max>} : vector<2048x8xf32> -> vector<2048xi32>
    %broadcast_in_dim3A_16 = vector.shape_cast %argmax3A : vector<2048xi32> to vector<2048x1xi32>
    %eq3A = vector.broadcast %broadcast_in_dim3A_16 : vector<2048x1xi32> to vector<2048x8xi32>
    %eq3A_17 = arith.cmpi eq, %iota3A, %eq3A : vector<2048x8xi32>
    %reduce_max3A_18 = arith.constant dense<0xFF800000> : vector<2048xf32>
    %reduce_max3A_19 = vector.multi_reduction <maximumf>, %div3A_15, %reduce_max3A_18 [1] : vector<2048x8xf32> to vector<2048xf32>
    %broadcast_in_dim3A_20 = vector.shape_cast %reduce_max3A_19 : vector<2048xf32> to vector<2048x1xf32>
    %jit3A = arith.constant -1.000000e+00 : f32
    %broadcast_in_dim3A_21 = vector.broadcast %jit3A : f32 to vector<2048x8xf32>
    %select_n3A = arith.select %eq3A_17, %broadcast_in_dim3A_21, %div3A_15 : vector<2048x8xi1>, vector<2048x8xf32>
    %argmax3A_22 = tpu.reduce_index %select_n3A {axis = 1 : i32, kind = #tpu.reduction_kind<arg_max>} : vector<2048x8xf32> -> vector<2048xi32>
    %broadcast_in_dim3A_23 = vector.shape_cast %argmax3A_22 : vector<2048xi32> to vector<2048x1xi32>
    %eq3A_24 = vector.broadcast %broadcast_in_dim3A_23 : vector<2048x1xi32> to vector<2048x8xi32>
    %eq3A_25 = arith.cmpi eq, %iota3A, %eq3A_24 : vector<2048x8xi32>
    %reduce_max3A_26 = arith.constant dense<0xFF800000> : vector<2048xf32>
    %reduce_max3A_27 = vector.multi_reduction <maximumf>, %select_n3A, %reduce_max3A_26 [1] : vector<2048x8xf32> to vector<2048xf32>
    %broadcast_in_dim3A_28 = vector.shape_cast %reduce_max3A_27 : vector<2048xf32> to vector<2048x1xf32>
    %add3A = arith.addf %broadcast_in_dim3A_20, %broadcast_in_dim3A_28 : vector<2048x1xf32>
    %div3A_29 = arith.divf %broadcast_in_dim3A_20, %add3A : vector<2048x1xf32>
    %swap3A = arith.constant 0 : index
    %swap3A_30 = arith.constant 0 : index
    %swap3A_31 = vector.load %arg4[%swap3A, %swap3A_30] : memref<2048x1xf32, #tpu.memory_space<vmem>>, vector<2048x1xf32>
    tpu.vector_store %arg4[%swap3A, %swap3A_30], %div3A_29 {strides = array<i32>} : memref<2048x1xf32, #tpu.memory_space<vmem>>, vector<2048x1xf32>,
    %div3A_32 = arith.divf %broadcast_in_dim3A_28, %add3A : vector<2048x1xf32>
    %swap3A_33 = arith.constant 0 : index
    %swap3A_34 = arith.constant 0 : index
    %swap3A_35 = vector.load %arg5[%swap3A_33, %swap3A_34] : memref<2048x1xf32, #tpu.memory_space<vmem>>, vector<2048x1xf32>
    tpu.vector_store %arg5[%swap3A_33, %swap3A_34], %div3A_32 {strides = array<i32>} : memref<2048x1xf32, #tpu.memory_space<vmem>>, vector<2048x1xf32>,
    %convert_element_type3A = arith.extui %eq3A_17 : vector<2048x8xi1> to vector<2048x8xi32>
    %convert_element_type3A_36 = arith.sitofp %convert_element_type3A : vector<2048x8xi32> to vector<2048x8xf32>
    %convert_element_type3A_37 = arith.extui %eq3A_25 : vector<2048x8xi1> to vector<2048x8xi32>
    %convert_element_type3A_38 = arith.sitofp %convert_element_type3A_37 : vector<2048x8xi32> to vector<2048x8xf32>
    %add3A_39 = arith.addf %convert_element_type3A_36, %convert_element_type3A_38 : vector<2048x8xf32>
    %iota3A_40 = tpu.iota {dimensions = array<i32: 0>} : vector<128x128xi32>
    %iota3A_41 = tpu.iota {dimensions = array<i32: 1>} : vector<128x128xi32>
    %gt3A = arith.cmpi sgt, %iota3A_40, %iota3A_41 : vector<128x128xi32>
    %convert_element_type3A_42 = arith.extui %gt3A : vector<128x128xi1> to vector<128x128xi32>
    %convert_element_type3A_43 = arith.sitofp %convert_element_type3A_42 : vector<128x128xi32> to vector<128x128xf32>
    %broadcast_in_dim3A_44 = arith.constant 0.000000e+00 : f32
    %broadcast_in_dim3A_45 = vector.broadcast %broadcast_in_dim3A_44 : f32 to vector<1x8xf32>
    %slice3A = vector.extract_strided_slice %add3A_39 {offsets = [0, 0], sizes = [128, 8], strides = [1, 1]} : vector<2048x8xf32> to vector<128x8xf32>
    %dot_general3A_46 = arith.constant dense<0.000000e+00> : vector<128x8xf32>
    %dot_general3A_47 = tpu.matmul %convert_element_type3A_43, %slice3A, %dot_general3A_46 {dimension_numbers = #tpu.dot_dimension_numbers<[1], [0], [0], [1], [0, 0, 1, 1], [], []>, transpose_lhs_hint = false} : vector<128x128xf32>, vector<128x8xf32>, vector<128x8xf32> -> vector<128x8xf32>
    %add3A_48 = vector.broadcast %broadcast_in_dim3A_45 : vector<1x8xf32> to vector<128x8xf32>
    %add3A_49 = arith.addf %dot_general3A_47, %add3A_48 : vector<128x8xf32>
    %reduce_sum3A_50 = arith.constant dense<0.000000e+00> : vector<8xf32>
    %reduce_sum3A_51 = vector.multi_reduction <add>, %slice3A, %reduce_sum3A_50 [0] : vector<128x8xf32> to vector<8xf32>
    %broadcast_in_dim3A_52 = vector.shape_cast %reduce_sum3A_51 : vector<8xf32> to vector<1x8xf32>
    %add3A_53 = arith.addf %broadcast_in_dim3A_45, %broadcast_in_dim3A_52 : vector<1x8xf32>
    %slice3A_54 = vector.extract_strided_slice %add3A_39 {offsets = [128, 0], sizes = [128, 8], strides = [1, 1]} : vector<2048x8xf32> to vector<128x8xf32>
    %dot_general3A_55 = arith.constant dense<0.000000e+00> : vector<128x8xf32>
    %dot_general3A_56 = tpu.matmul %convert_element_type3A_43, %slice3A_54, %dot_general3A_55 {dimension_numbers = #tpu.dot_dimension_numbers<[1], [0], [0], [1], [0, 0, 1, 1], [], []>, transpose_lhs_hint = false} : vector<128x128xf32>, vector<128x8xf32>, vector<128x8xf32> -> vector<128x8xf32>
    %add3A_57 = vector.broadcast %add3A_53 : vector<1x8xf32> to vector<128x8xf32>
    %add3A_58 = arith.addf %dot_general3A_56, %add3A_57 : vector<128x8xf32>
    %reduce_sum3A_59 = arith.constant dense<0.000000e+00> : vector<8xf32>
    %reduce_sum3A_60 = vector.multi_reduction <add>, %slice3A_54, %reduce_sum3A_59 [0] : vector<128x8xf32> to vector<8xf32>
    %broadcast_in_dim3A_61 = vector.shape_cast %reduce_sum3A_60 : vector<8xf32> to vector<1x8xf32>
    %add3A_62 = arith.addf %add3A_53, %broadcast_in_dim3A_61 : vector<1x8xf32>
    %slice3A_63 = vector.extract_strided_slice %add3A_39 {offsets = [256, 0], sizes = [128, 8], strides = [1, 1]} : vector<2048x8xf32> to vector<128x8xf32>
    %dot_general3A_64 = arith.constant dense<0.000000e+00> : vector<128x8xf32>
    %dot_general3A_65 = tpu.matmul %convert_element_type3A_43, %slice3A_63, %dot_general3A_64 {dimension_numbers = #tpu.dot_dimension_numbers<[1], [0], [0], [1], [0, 0, 1, 1], [], []>, transpose_lhs_hint = false} : vector<128x128xf32>, vector<128x8xf32>, vector<128x8xf32> -> vector<128x8xf32>
    %add3A_66 = vector.broadcast %add3A_62 : vector<1x8xf32> to vector<128x8xf32>
    %add3A_67 = arith.addf %dot_general3A_65, %add3A_66 : vector<128x8xf32>
    %reduce_sum3A_68 = arith.constant dense<0.000000e+00> : vector<8xf32>
    %reduce_sum3A_69 = vector.multi_reduction <add>, %slice3A_63, %reduce_sum3A_68 [0] : vector<128x8xf32> to vector<8xf32>
    %broadcast_in_dim3A_70 = vector.shape_cast %reduce_sum3A_69 : vector<8xf32> to vector<1x8xf32>
    %add3A_71 = arith.addf %add3A_62, %broadcast_in_dim3A_70 : vector<1x8xf32>
    %slice3A_72 = vector.extract_strided_slice %add3A_39 {offsets = [384, 0], sizes = [128, 8], strides = [1, 1]} : vector<2048x8xf32> to vector<128x8xf32>
    %dot_general3A_73 = arith.constant dense<0.000000e+00> : vector<128x8xf32>
    %dot_general3A_74 = tpu.matmul %convert_element_type3A_43, %slice3A_72, %dot_general3A_73 {dimension_numbers = #tpu.dot_dimension_numbers<[1], [0], [0], [1], [0, 0, 1, 1], [], []>, transpose_lhs_hint = false} : vector<128x128xf32>, vector<128x8xf32>, vector<128x8xf32> -> vector<128x8xf32>
    %add3A_75 = vector.broadcast %add3A_71 : vector<1x8xf32> to vector<128x8xf32>
    %add3A_76 = arith.addf %dot_general3A_74, %add3A_75 : vector<128x8xf32>
    %reduce_sum3A_77 = arith.constant dense<0.000000e+00> : vector<8xf32>
    %reduce_sum3A_78 = vector.multi_reduction <add>, %slice3A_72, %reduce_sum3A_77 [0] : vector<128x8xf32> to vector<8xf32>
    %broadcast_in_dim3A_79 = vector.shape_cast %reduce_sum3A_78 : vector<8xf32> to vector<1x8xf32>
    %add3A_80 = arith.addf %add3A_71, %broadcast_in_dim3A_79 : vector<1x8xf32>
    %slice3A_81 = vector.extract_strided_slice %add3A_39 {offsets = [512, 0], sizes = [128, 8], strides = [1, 1]} : vector<2048x8xf32> to vector<128x8xf32>
    %dot_general3A_82 = arith.constant dense<0.000000e+00> : vector<128x8xf32>
    %dot_general3A_83 = tpu.matmul %convert_element_type3A_43, %slice3A_81, %dot_general3A_82 {dimension_numbers = #tpu.dot_dimension_numbers<[1], [0], [0], [1], [0, 0, 1, 1], [], []>, transpose_lhs_hint = false} : vector<128x128xf32>, vector<128x8xf32>, vector<128x8xf32> -> vector<128x8xf32>
    %add3A_84 = vector.broadcast %add3A_80 : vector<1x8xf32> to vector<128x8xf32>
    %add3A_85 = arith.addf %dot_general3A_83, %add3A_84 : vector<128x8xf32>
    %reduce_sum3A_86 = arith.constant dense<0.000000e+00> : vector<8xf32>
    %reduce_sum3A_87 = vector.multi_reduction <add>, %slice3A_81, %reduce_sum3A_86 [0] : vector<128x8xf32> to vector<8xf32>
    %broadcast_in_dim3A_88 = vector.shape_cast %reduce_sum3A_87 : vector<8xf32> to vector<1x8xf32>
    %add3A_89 = arith.addf %add3A_80, %broadcast_in_dim3A_88 : vector<1x8xf32>
    %slice3A_90 = vector.extract_strided_slice %add3A_39 {offsets = [640, 0], sizes = [128, 8], strides = [1, 1]} : vector<2048x8xf32> to vector<128x8xf32>
    %dot_general3A_91 = arith.constant dense<0.000000e+00> : vector<128x8xf32>
    %dot_general3A_92 = tpu.matmul %convert_element_type3A_43, %slice3A_90, %dot_general3A_91 {dimension_numbers = #tpu.dot_dimension_numbers<[1], [0], [0], [1], [0, 0, 1, 1], [], []>, transpose_lhs_hint = false} : vector<128x128xf32>, vector<128x8xf32>, vector<128x8xf32> -> vector<128x8xf32>
    %add3A_93 = vector.broadcast %add3A_89 : vector<1x8xf32> to vector<128x8xf32>
    %add3A_94 = arith.addf %dot_general3A_92, %add3A_93 : vector<128x8xf32>
    %reduce_sum3A_95 = arith.constant dense<0.000000e+00> : vector<8xf32>
    %reduce_sum3A_96 = vector.multi_reduction <add>, %slice3A_90, %reduce_sum3A_95 [0] : vector<128x8xf32> to vector<8xf32>
    %broadcast_in_dim3A_97 = vector.shape_cast %reduce_sum3A_96 : vector<8xf32> to vector<1x8xf32>
    %add3A_98 = arith.addf %add3A_89, %broadcast_in_dim3A_97 : vector<1x8xf32>
    %slice3A_99 = vector.extract_strided_slice %add3A_39 {offsets = [768, 0], sizes = [128, 8], strides = [1, 1]} : vector<2048x8xf32> to vector<128x8xf32>
    %dot_general3A_100 = arith.constant dense<0.000000e+00> : vector<128x8xf32>
    %dot_general3A_101 = tpu.matmul %convert_element_type3A_43, %slice3A_99, %dot_general3A_100 {dimension_numbers = #tpu.dot_dimension_numbers<[1], [0], [0], [1], [0, 0, 1, 1], [], []>, transpose_lhs_hint = false} : vector<128x128xf32>, vector<128x8xf32>, vector<128x8xf32> -> vector<128x8xf32>
    %add3A_102 = vector.broadcast %add3A_98 : vector<1x8xf32> to vector<128x8xf32>
    %add3A_103 = arith.addf %dot_general3A_101, %add3A_102 : vector<128x8xf32>
    %reduce_sum3A_104 = arith.constant dense<0.000000e+00> : vector<8xf32>
    %reduce_sum3A_105 = vector.multi_reduction <add>, %slice3A_99, %reduce_sum3A_104 [0] : vector<128x8xf32> to vector<8xf32>
    %broadcast_in_dim3A_106 = vector.shape_cast %reduce_sum3A_105 : vector<8xf32> to vector<1x8xf32>
    %add3A_107 = arith.addf %add3A_98, %broadcast_in_dim3A_106 : vector<1x8xf32>
    %slice3A_108 = vector.extract_strided_slice %add3A_39 {offsets = [896, 0], sizes = [128, 8], strides = [1, 1]} : vector<2048x8xf32> to vector<128x8xf32>
    %dot_general3A_109 = arith.constant dense<0.000000e+00> : vector<128x8xf32>
    %dot_general3A_110 = tpu.matmul %convert_element_type3A_43, %slice3A_108, %dot_general3A_109 {dimension_numbers = #tpu.dot_dimension_numbers<[1], [0], [0], [1], [0, 0, 1, 1], [], []>, transpose_lhs_hint = false} : vector<128x128xf32>, vector<128x8xf32>, vector<128x8xf32> -> vector<128x8xf32>
    %add3A_111 = vector.broadcast %add3A_107 : vector<1x8xf32> to vector<128x8xf32>
    %add3A_112 = arith.addf %dot_general3A_110, %add3A_111 : vector<128x8xf32>
    %reduce_sum3A_113 = arith.constant dense<0.000000e+00> : vector<8xf32>
    %reduce_sum3A_114 = vector.multi_reduction <add>, %slice3A_108, %reduce_sum3A_113 [0] : vector<128x8xf32> to vector<8xf32>
    %broadcast_in_dim3A_115 = vector.shape_cast %reduce_sum3A_114 : vector<8xf32> to vector<1x8xf32>
    %add3A_116 = arith.addf %add3A_107, %broadcast_in_dim3A_115 : vector<1x8xf32>
    %slice3A_117 = vector.extract_strided_slice %add3A_39 {offsets = [1024, 0], sizes = [128, 8], strides = [1, 1]} : vector<2048x8xf32> to vector<128x8xf32>
    %dot_general3A_118 = arith.constant dense<0.000000e+00> : vector<128x8xf32>
    %dot_general3A_119 = tpu.matmul %convert_element_type3A_43, %slice3A_117, %dot_general3A_118 {dimension_numbers = #tpu.dot_dimension_numbers<[1], [0], [0], [1], [0, 0, 1, 1], [], []>, transpose_lhs_hint = false} : vector<128x128xf32>, vector<128x8xf32>, vector<128x8xf32> -> vector<128x8xf32>
    %add3A_120 = vector.broadcast %add3A_116 : vector<1x8xf32> to vector<128x8xf32>
    %add3A_121 = arith.addf %dot_general3A_119, %add3A_120 : vector<128x8xf32>
    %reduce_sum3A_122 = arith.constant dense<0.000000e+00> : vector<8xf32>
    %reduce_sum3A_123 = vector.multi_reduction <add>, %slice3A_117, %reduce_sum3A_122 [0] : vector<128x8xf32> to vector<8xf32>
    %broadcast_in_dim3A_124 = vector.shape_cast %reduce_sum3A_123 : vector<8xf32> to vector<1x8xf32>
    %add3A_125 = arith.addf %add3A_116, %broadcast_in_dim3A_124 : vector<1x8xf32>
    %slice3A_126 = vector.extract_strided_slice %add3A_39 {offsets = [1152, 0], sizes = [128, 8], strides = [1, 1]} : vector<2048x8xf32> to vector<128x8xf32>
    %dot_general3A_127 = arith.constant dense<0.000000e+00> : vector<128x8xf32>
    %dot_general3A_128 = tpu.matmul %convert_element_type3A_43, %slice3A_126, %dot_general3A_127 {dimension_numbers = #tpu.dot_dimension_numbers<[1], [0], [0], [1], [0, 0, 1, 1], [], []>, transpose_lhs_hint = false} : vector<128x128xf32>, vector<128x8xf32>, vector<128x8xf32> -> vector<128x8xf32>
    %add3A_129 = vector.broadcast %add3A_125 : vector<1x8xf32> to vector<128x8xf32>
    %add3A_130 = arith.addf %dot_general3A_128, %add3A_129 : vector<128x8xf32>
    %reduce_sum3A_131 = arith.constant dense<0.000000e+00> : vector<8xf32>
    %reduce_sum3A_132 = vector.multi_reduction <add>, %slice3A_126, %reduce_sum3A_131 [0] : vector<128x8xf32> to vector<8xf32>
    %broadcast_in_dim3A_133 = vector.shape_cast %reduce_sum3A_132 : vector<8xf32> to vector<1x8xf32>
    %add3A_134 = arith.addf %add3A_125, %broadcast_in_dim3A_133 : vector<1x8xf32>
    %slice3A_135 = vector.extract_strided_slice %add3A_39 {offsets = [1280, 0], sizes = [128, 8], strides = [1, 1]} : vector<2048x8xf32> to vector<128x8xf32>
    %dot_general3A_136 = arith.constant dense<0.000000e+00> : vector<128x8xf32>
    %dot_general3A_137 = tpu.matmul %convert_element_type3A_43, %slice3A_135, %dot_general3A_136 {dimension_numbers = #tpu.dot_dimension_numbers<[1], [0], [0], [1], [0, 0, 1, 1], [], []>, transpose_lhs_hint = false} : vector<128x128xf32>, vector<128x8xf32>, vector<128x8xf32> -> vector<128x8xf32>
    %add3A_138 = vector.broadcast %add3A_134 : vector<1x8xf32> to vector<128x8xf32>
    %add3A_139 = arith.addf %dot_general3A_137, %add3A_138 : vector<128x8xf32>
    %reduce_sum3A_140 = arith.constant dense<0.000000e+00> : vector<8xf32>
    %reduce_sum3A_141 = vector.multi_reduction <add>, %slice3A_135, %reduce_sum3A_140 [0] : vector<128x8xf32> to vector<8xf32>
    %broadcast_in_dim3A_142 = vector.shape_cast %reduce_sum3A_141 : vector<8xf32> to vector<1x8xf32>
    %add3A_143 = arith.addf %add3A_134, %broadcast_in_dim3A_142 : vector<1x8xf32>
    %slice3A_144 = vector.extract_strided_slice %add3A_39 {offsets = [1408, 0], sizes = [128, 8], strides = [1, 1]} : vector<2048x8xf32> to vector<128x8xf32>
    %dot_general3A_145 = arith.constant dense<0.000000e+00> : vector<128x8xf32>
    %dot_general3A_146 = tpu.matmul %convert_element_type3A_43, %slice3A_144, %dot_general3A_145 {dimension_numbers = #tpu.dot_dimension_numbers<[1], [0], [0], [1], [0, 0, 1, 1], [], []>, transpose_lhs_hint = false} : vector<128x128xf32>, vector<128x8xf32>, vector<128x8xf32> -> vector<128x8xf32>
    %add3A_147 = vector.broadcast %add3A_143 : vector<1x8xf32> to vector<128x8xf32>
    %add3A_148 = arith.addf %dot_general3A_146, %add3A_147 : vector<128x8xf32>
    %reduce_sum3A_149 = arith.constant dense<0.000000e+00> : vector<8xf32>
    %reduce_sum3A_150 = vector.multi_reduction <add>, %slice3A_144, %reduce_sum3A_149 [0] : vector<128x8xf32> to vector<8xf32>
    %broadcast_in_dim3A_151 = vector.shape_cast %reduce_sum3A_150 : vector<8xf32> to vector<1x8xf32>
    %add3A_152 = arith.addf %add3A_143, %broadcast_in_dim3A_151 : vector<1x8xf32>
    %slice3A_153 = vector.extract_strided_slice %add3A_39 {offsets = [1536, 0], sizes = [128, 8], strides = [1, 1]} : vector<2048x8xf32> to vector<128x8xf32>
    %dot_general3A_154 = arith.constant dense<0.000000e+00> : vector<128x8xf32>
    %dot_general3A_155 = tpu.matmul %convert_element_type3A_43, %slice3A_153, %dot_general3A_154 {dimension_numbers = #tpu.dot_dimension_numbers<[1], [0], [0], [1], [0, 0, 1, 1], [], []>, transpose_lhs_hint = false} : vector<128x128xf32>, vector<128x8xf32>, vector<128x8xf32> -> vector<128x8xf32>
    %add3A_156 = vector.broadcast %add3A_152 : vector<1x8xf32> to vector<128x8xf32>
    %add3A_157 = arith.addf %dot_general3A_155, %add3A_156 : vector<128x8xf32>
    %reduce_sum3A_158 = arith.constant dense<0.000000e+00> : vector<8xf32>
    %reduce_sum3A_159 = vector.multi_reduction <add>, %slice3A_153, %reduce_sum3A_158 [0] : vector<128x8xf32> to vector<8xf32>
    %broadcast_in_dim3A_160 = vector.shape_cast %reduce_sum3A_159 : vector<8xf32> to vector<1x8xf32>
    %add3A_161 = arith.addf %add3A_152, %broadcast_in_dim3A_160 : vector<1x8xf32>
    %slice3A_162 = vector.extract_strided_slice %add3A_39 {offsets = [1664, 0], sizes = [128, 8], strides = [1, 1]} : vector<2048x8xf32> to vector<128x8xf32>
    %dot_general3A_163 = arith.constant dense<0.000000e+00> : vector<128x8xf32>
    %dot_general3A_164 = tpu.matmul %convert_element_type3A_43, %slice3A_162, %dot_general3A_163 {dimension_numbers = #tpu.dot_dimension_numbers<[1], [0], [0], [1], [0, 0, 1, 1], [], []>, transpose_lhs_hint = false} : vector<128x128xf32>, vector<128x8xf32>, vector<128x8xf32> -> vector<128x8xf32>
    %add3A_165 = vector.broadcast %add3A_161 : vector<1x8xf32> to vector<128x8xf32>
    %add3A_166 = arith.addf %dot_general3A_164, %add3A_165 : vector<128x8xf32>
    %reduce_sum3A_167 = arith.constant dense<0.000000e+00> : vector<8xf32>
    %reduce_sum3A_168 = vector.multi_reduction <add>, %slice3A_162, %reduce_sum3A_167 [0] : vector<128x8xf32> to vector<8xf32>
    %broadcast_in_dim3A_169 = vector.shape_cast %reduce_sum3A_168 : vector<8xf32> to vector<1x8xf32>
    %add3A_170 = arith.addf %add3A_161, %broadcast_in_dim3A_169 : vector<1x8xf32>
    %slice3A_171 = vector.extract_strided_slice %add3A_39 {offsets = [1792, 0], sizes = [128, 8], strides = [1, 1]} : vector<2048x8xf32> to vector<128x8xf32>
    %dot_general3A_172 = arith.constant dense<0.000000e+00> : vector<128x8xf32>
    %dot_general3A_173 = tpu.matmul %convert_element_type3A_43, %slice3A_171, %dot_general3A_172 {dimension_numbers = #tpu.dot_dimension_numbers<[1], [0], [0], [1], [0, 0, 1, 1], [], []>, transpose_lhs_hint = false} : vector<128x128xf32>, vector<128x8xf32>, vector<128x8xf32> -> vector<128x8xf32>
    %add3A_174 = vector.broadcast %add3A_170 : vector<1x8xf32> to vector<128x8xf32>
    %add3A_175 = arith.addf %dot_general3A_173, %add3A_174 : vector<128x8xf32>
    %reduce_sum3A_176 = arith.constant dense<0.000000e+00> : vector<8xf32>
    %reduce_sum3A_177 = vector.multi_reduction <add>, %slice3A_171, %reduce_sum3A_176 [0] : vector<128x8xf32> to vector<8xf32>
    %broadcast_in_dim3A_178 = vector.shape_cast %reduce_sum3A_177 : vector<8xf32> to vector<1x8xf32>
    %add3A_179 = arith.addf %add3A_170, %broadcast_in_dim3A_178 : vector<1x8xf32>
    %slice3A_180 = vector.extract_strided_slice %add3A_39 {offsets = [1920, 0], sizes = [128, 8], strides = [1, 1]} : vector<2048x8xf32> to vector<128x8xf32>
    %dot_general3A_181 = arith.constant dense<0.000000e+00> : vector<128x8xf32>
    %dot_general3A_182 = tpu.matmul %convert_element_type3A_43, %slice3A_180, %dot_general3A_181 {dimension_numbers = #tpu.dot_dimension_numbers<[1], [0], [0], [1], [0, 0, 1, 1], [], []>, transpose_lhs_hint = false} : vector<128x128xf32>, vector<128x8xf32>, vector<128x8xf32> -> vector<128x8xf32>
    %add3A_183 = vector.broadcast %add3A_179 : vector<1x8xf32> to vector<128x8xf32>
    %add3A_184 = arith.addf %dot_general3A_182, %add3A_183 : vector<128x8xf32>
    %reduce_sum3A_185 = arith.constant dense<0.000000e+00> : vector<8xf32>
    %reduce_sum3A_186 = vector.multi_reduction <add>, %slice3A_180, %reduce_sum3A_185 [0] : vector<128x8xf32> to vector<8xf32>
    %broadcast_in_dim3A_187 = vector.shape_cast %reduce_sum3A_186 : vector<8xf32> to vector<1x8xf32>
    %add3A_188 = arith.addf %add3A_179, %broadcast_in_dim3A_187 : vector<1x8xf32>
    %concatenate3A = tpu.concatenate %add3A_49, %add3A_58, %add3A_67, %add3A_76, %add3A_85, %add3A_94, %add3A_103, %add3A_112, %add3A_121, %add3A_130, %add3A_139, %add3A_148, %add3A_157, %add3A_166, %add3A_175, %add3A_184 in 0 : vector<128x8xf32>, vector<128x8xf32>, vector<128x8xf32>, vector<128x8xf32>, vector<128x8xf32>, vector<128x8xf32>, vector<128x8xf32>, vector<128x8xf32>, vector<128x8xf32>, vector<128x8xf32>, vector<128x8xf32>, vector<128x8xf32>, vector<128x8xf32>, vector<128x8xf32>, vector<128x8xf32>, vector<128x8xf32> -> vector<2048x8xf32>
    %convert_element_type3A_189 = arith.fptosi %add3A_188 : vector<1x8xf32> to vector<1x8xi32>
    %add3A_190 = arith.constant 255 : i32
    %add3A_191 = vector.broadcast %add3A_190 : i32 to vector<1x8xi32>
    %add3A_192 = arith.addi %convert_element_type3A_189, %add3A_191 : vector<1x8xi32>
    %jit3A_193 = arith.constant 256 : i32
    %div3A_194 = vector.broadcast %jit3A_193 : i32 to vector<1x8xi32>
    %div3A_195 = arith.divsi %add3A_192, %div3A_194 : vector<1x8xi32>
    %sign3A = arith.constant 0 : i32
    %sign3A_196 = vector.broadcast %sign3A : i32 to vector<1x8xi32>
    %sign3A_197 = arith.cmpi sgt, %add3A_192, %sign3A_196 : vector<1x8xi32>
    %sign3A_198 = arith.extui %sign3A_197 : vector<1x8xi1> to vector<1x8xi32>
    %sign3A_199 = arith.constant 0 : i32
    %sign3A_200 = vector.broadcast %sign3A_199 : i32 to vector<1x8xi32>
    %sign3A_201 = arith.cmpi slt, %add3A_192, %sign3A_200 : vector<1x8xi32>
    %sign3A_202 = arith.extui %sign3A_201 : vector<1x8xi1> to vector<1x8xi32>
    %sign3A_203 = arith.subi %sign3A_198, %sign3A_202 : vector<1x8xi32>
    %sign3A_204 = arith.constant 0 : i32
    %sign3A_205 = arith.cmpi sgt, %jit3A_193, %sign3A_204 : i32
    %sign3A_206 = arith.extui %sign3A_205 : i1 to i32
    %sign3A_207 = arith.constant 0 : i32
    %sign3A_208 = arith.cmpi slt, %jit3A_193, %sign3A_207 : i32
    %sign3A_209 = arith.extui %sign3A_208 : i1 to i32
    %sign3A_210 = arith.subi %sign3A_206, %sign3A_209 : i32
    %ne3A = vector.broadcast %sign3A_210 : i32 to vector<1x8xi32>
    %ne3A_211 = arith.cmpi ne, %sign3A_203, %ne3A : vector<1x8xi32>
    %rem3A = vector.broadcast %jit3A_193 : i32 to vector<1x8xi32>
    %rem3A_212 = arith.remsi %add3A_192, %rem3A : vector<1x8xi32>
    %ne3A_213 = arith.constant 0 : i32
    %ne3A_214 = vector.broadcast %ne3A_213 : i32 to vector<1x8xi32>
    %ne3A_215 = arith.cmpi ne, %rem3A_212, %ne3A_214 : vector<1x8xi32>
    %and3A = arith.andi %ne3A_211, %ne3A_215 : vector<1x8xi1>
    %sub3A_216 = arith.constant 1 : i32
    %sub3A_217 = vector.broadcast %sub3A_216 : i32 to vector<1x8xi32>
    %sub3A_218 = arith.subi %div3A_195, %sub3A_217 : vector<1x8xi32>
    %select_n3A_219 = arith.select %and3A, %sub3A_218, %div3A_195 : vector<1x8xi1>, vector<1x8xi32>
    %mul3A_220 = arith.constant 256 : i32
    %mul3A_221 = vector.broadcast %mul3A_220 : i32 to vector<1x8xi32>
    %mul3A_222 = arith.muli %select_n3A_219, %mul3A_221 : vector<1x8xi32>
    %convert_element_type3A_223 = arith.sitofp %mul3A_222 : vector<1x8xi32> to vector<1x8xf32>
    %iota3A_224 = tpu.iota {dimensions = array<i32: 0>} : vector<8x8xi32>
    %iota3A_225 = tpu.iota {dimensions = array<i32: 1>} : vector<8x8xi32>
    %lt3A = arith.cmpi slt, %iota3A_224, %iota3A_225 : vector<8x8xi32>
    %convert_element_type3A_226 = arith.extui %lt3A : vector<8x8xi1> to vector<8x8xi32>
    %convert_element_type3A_227 = arith.sitofp %convert_element_type3A_226 : vector<8x8xi32> to vector<8x8xf32>
    %dot_general3A_228 = arith.constant dense<0.000000e+00> : vector<1x8xf32>
    %dot_general3A_229 = tpu.matmul %convert_element_type3A_223, %convert_element_type3A_227, %dot_general3A_228 {dimension_numbers = #tpu.dot_dimension_numbers<[1], [0], [0], [1], [0, 0, 1, 1], [], []>, transpose_lhs_hint = false} : vector<1x8xf32>, vector<8x8xf32>, vector<1x8xf32> -> vector<1x8xf32>
    %add3A_230 = vector.broadcast %dot_general3A_229 : vector<1x8xf32> to vector<2048x8xf32>
    %add3A_231 = arith.addf %add3A_230, %concatenate3A : vector<2048x8xf32>
    %jit3A_232 = arith.constant 0.000000e+00 : f32
    %broadcast_in_dim3A_233 = vector.broadcast %jit3A_232 : f32 to vector<2048x8xf32>
    %select_n3A_234 = arith.select %eq3A_17, %add3A_231, %broadcast_in_dim3A_233 : vector<2048x8xi1>, vector<2048x8xf32>
    %reduce_sum3A_235 = arith.constant dense<0.000000e+00> : vector<2048xf32>
    %reduce_sum3A_236 = vector.multi_reduction <add>, %select_n3A_234, %reduce_sum3A_235 [1] : vector<2048x8xf32> to vector<2048xf32>
    %convert_element_type3A_237 = arith.fptosi %reduce_sum3A_236 : vector<2048xf32> to vector<2048xi32>
    %swap3A_238 = arith.constant 0 : index
    %swap3A_239 = arith.constant 0 : index
    %swap3A_240 = vector.load %arg2[%swap3A_238, %swap3A_239] : memref<1x2048xi32, #tpu.memory_space<vmem>>, vector<1x2048xi32>
    %swap3A_241 = vector.shape_cast %swap3A_240 : vector<1x2048xi32> to vector<2048xi32>
    %swap3A_242 = vector.shape_cast %convert_element_type3A_237 : vector<2048xi32> to vector<1x2048xi32>
    tpu.vector_store %arg2[%swap3A_238, %swap3A_239], %swap3A_242 {strides = array<i32>} : memref<1x2048xi32, #tpu.memory_space<vmem>>, vector<1x2048xi32>,
    %jit3A_243 = arith.constant 0.000000e+00 : f32
    %broadcast_in_dim3A_244 = vector.broadcast %jit3A_243 : f32 to vector<2048x8xf32>
    %select_n3A_245 = arith.select %eq3A_25, %add3A_231, %broadcast_in_dim3A_244 : vector<2048x8xi1>, vector<2048x8xf32>
    %reduce_sum3A_246 = arith.constant dense<0.000000e+00> : vector<2048xf32>
    %reduce_sum3A_247 = vector.multi_reduction <add>, %select_n3A_245, %reduce_sum3A_246 [1] : vector<2048x8xf32> to vector<2048xf32>
    %convert_element_type3A_248 = arith.fptosi %reduce_sum3A_247 : vector<2048xf32> to vector<2048xi32>
    %swap3A_249 = arith.constant 0 : index
    %swap3A_250 = arith.constant 0 : index
    %swap3A_251 = vector.load %arg3[%swap3A_249, %swap3A_250] : memref<1x2048xi32, #tpu.memory_space<vmem>>, vector<1x2048xi32>
    %swap3A_252 = vector.shape_cast %swap3A_251 : vector<1x2048xi32> to vector<2048xi32>
    %swap3A_253 = vector.shape_cast %convert_element_type3A_248 : vector<2048xi32> to vector<1x2048xi32>
    tpu.vector_store %arg3[%swap3A_249, %swap3A_250], %swap3A_253 {strides = array<i32>} : memref<1x2048xi32, #tpu.memory_space<vmem>>, vector<1x2048xi32>,
    %add3A_254 = arith.addf %dot_general3A_229, %convert_element_type3A_223 : vector<1x8xf32>
    %iota3A_255 = tpu.iota {dimensions = array<i32: 0>} : vector<24x8xi32>
    %mul3A_256 = arith.constant 256 : i32
    %mul3A_257 = vector.broadcast %mul3A_256 : i32 to vector<24x8xi32>
    %mul3A_258 = arith.muli %iota3A_255, %mul3A_257 : vector<24x8xi32>
    %convert_element_type3A_259 = arith.sitofp %mul3A_258 : vector<24x8xi32> to vector<24x8xf32>
    %ge3A = vector.broadcast %add3A_254 : vector<1x8xf32> to vector<24x8xf32>
    %ge3A_260 = arith.cmpf oge, %convert_element_type3A_259, %ge3A : vector<24x8xf32>
    %convert_element_type3A_261 = arith.extui %ge3A_260 : vector<24x8xi1> to vector<24x8xi32>
    %convert_element_type3A_262 = arith.sitofp %convert_element_type3A_261 : vector<24x8xi32> to vector<24x8xf32>
    %reduce_sum3A_263 = arith.constant dense<0.000000e+00> : vector<24xf32>
    %reduce_sum3A_264 = vector.multi_reduction <add>, %convert_element_type3A_262, %reduce_sum3A_263 [1] : vector<24x8xf32> to vector<24xf32>
    %min3A = arith.constant 7.000000e+00 : f32
    %min3A_265 = vector.broadcast %min3A : f32 to vector<24xf32>
    %min3A_266 = arith.minimumf %reduce_sum3A_264, %min3A_265 : vector<24xf32>
    %convert_element_type3A_267 = arith.fptosi %min3A_266 : vector<24xf32> to vector<24xi32>
    %swap3A_268 = arith.constant 0 : index
    %swap3A_269 = arith.constant 0 : index
    %swap3A_270 = vector.load %arg6[%swap3A_268, %swap3A_269] : memref<1x24xi32, #tpu.memory_space<vmem>>, vector<1x24xi32>
    %swap3A_271 = vector.shape_cast %swap3A_270 : vector<1x24xi32> to vector<24xi32>
    %swap3A_272 = vector.shape_cast %convert_element_type3A_267 : vector<24xi32> to vector<1x24xi32>
    tpu.vector_store %arg6[%swap3A_268, %swap3A_269], %swap3A_272 {strides = array<i32>} : memref<1x24xi32, #tpu.memory_space<vmem>>, vector<1x24xi32>,
    %reduce_sum3A_273 = vector.shape_cast %add3A_188 : vector<1x8xf32> to vector<1x1x8xf32>
    %reduce_sum3A_274 = arith.constant dense<0.000000e+00> : vector<1xf32>
    %reduce_sum3A_275 = vector.multi_reduction <add>, %reduce_sum3A_273, %reduce_sum3A_274 [1, 2] : vector<1x1x8xf32> to vector<1xf32>
    %reduce_sum3A_276 = vector.shape_cast %reduce_sum3A_275 : vector<1xf32> to vector<1x1x1xf32>
    %reduce_sum3A_277 = vector.extract %reduce_sum3A_276[0, 0, 0] : f32 from vector<1x1x1xf32>
    %add3A_278 = arith.constant 2.048000e+03 : f32
    %add3A_279 = arith.addf %reduce_sum3A_277, %add3A_278 : f32
    %div3A_280 = vector.broadcast %add3A_279 : f32 to vector<1x8xf32>
    %div3A_281 = arith.divf %add3A_188, %div3A_280 : vector<1x8xf32>
    %sub3A_282 = arith.constant 0.111111112 : f32
    %sub3A_283 = vector.broadcast %sub3A_282 : f32 to vector<1x8xf32>
    %sub3A_284 = arith.subf %div3A_281, %sub3A_283 : vector<1x8xf32>
    %integer_pow3A = arith.mulf %sub3A_284, %sub3A_284 : vector<1x8xf32>
    %reduce_sum3A_285 = vector.shape_cast %integer_pow3A : vector<1x8xf32> to vector<1x1x8xf32>
    %reduce_sum3A_286 = arith.constant dense<0.000000e+00> : vector<1xf32>
    %reduce_sum3A_287 = vector.multi_reduction <add>, %reduce_sum3A_285, %reduce_sum3A_286 [1, 2] : vector<1x1x8xf32> to vector<1xf32>
    %reduce_sum3A_288 = vector.shape_cast %reduce_sum3A_287 : vector<1xf32> to vector<1x1x1xf32>
    %reduce_sum3A_289 = vector.extract %reduce_sum3A_288[0, 0, 0] : f32 from vector<1x1x1xf32>
    %div3A_290 = arith.constant 2.048000e+03 : f32
    %div3A_291 = arith.divf %div3A_290, %add3A_279 : f32
    %sub3A_292 = arith.constant 0.111111112 : f32
    %sub3A_293 = arith.subf %div3A_291, %sub3A_292 : f32
    %integer_pow3A_294 = arith.mulf %sub3A_293, %sub3A_293 : f32
    %add3A_295 = arith.addf %reduce_sum3A_289, %integer_pow3A_294 : f32
    %div3A_296 = arith.constant 9.000000e+00 : f32
    %div3A_297 = arith.divf %add3A_295, %div3A_296 : f32
    %div3A_298 = arith.constant 2.048000e+03 : f32
    %div3A_299 = arith.divf %reduce_sum3A_9, %div3A_298 : f32
    %broadcast_in_dim3A_300 = vector.broadcast %div3A_297 : f32 to vector<1x1xf32>
    %swap3A_301 = arith.constant 0 : index
    %swap3A_302 = arith.constant 0 : index
    %swap3A_303 = vector.load %arg7[%swap3A_301, %swap3A_302] : memref<1x1xf32, #tpu.memory_space<vmem>>, vector<1x1xf32>
    tpu.vector_store %arg7[%swap3A_301, %swap3A_302], %broadcast_in_dim3A_300 {strides = array<i32>} : memref<1x1xf32, #tpu.memory_space<vmem>>, vector<1x1xf32>,
    %broadcast_in_dim3A_304 = vector.broadcast %div3A_299 : f32 to vector<1x1xf32>
    %swap3A_305 = arith.constant 0 : index
    %swap3A_306 = arith.constant 0 : index
    %swap3A_307 = vector.load %arg8[%swap3A_305, %swap3A_306] : memref<1x1xf32, #tpu.memory_space<vmem>>, vector<1x1xf32>
    tpu.vector_store %arg8[%swap3A_305, %swap3A_306], %broadcast_in_dim3A_304 {strides = array<i32>} : memref<1x1xf32, #tpu.memory_space<vmem>>, vector<1x1xf32>,
    %mul3A_308 = arith.constant 0.00999999977 : f32
    %mul3A_309 = arith.mulf %mul3A_308, %div3A_297 : f32
    %mul3A_310 = arith.constant 0.00999999977 : f32
    %mul3A_311 = arith.mulf %mul3A_310, %div3A_299 : f32
    %add3A_312 = arith.addf %mul3A_309, %mul3A_311 : f32
    %broadcast_in_dim3A_313 = vector.broadcast %add3A_312 : f32 to vector<1x1xf32>
    %swap3A_314 = arith.constant 0 : index
    %swap3A_315 = arith.constant 0 : index
    %swap3A_316 = vector.load %arg9[%swap3A_314, %swap3A_315] : memref<1x1xf32, #tpu.memory_space<vmem>>, vector<1x1xf32>
    tpu.vector_store %arg9[%swap3A_314, %swap3A_315], %broadcast_in_dim3A_313 {strides = array<i32>} : memref<1x1xf32, #tpu.memory_space<vmem>>, vector<1x1xf32>,
    return
  }
}

</mosaic_0001>

<sc_bundles>
// kernel: kernel.10.cloned.1.call-start
scs
__scs_entry_jumppad:
0x0: {  	(pc) =	sbr.rel $0x88, $3  }
0x1: {  	(tag) =	ssettag $0x0;
	lr =	simm.s32 $0x1  }
0x2: {  	[smem:$0x3F99] =	sst lr;
	_ =	strace $0xD0000000  }
0x3: {  	_ = 	snop  }
0x4: {  	_ = 	snop  }
0x5: {  	_ = 	snop  }
0x6: {  	_ = 	snop  }
0x7: {  	_ = 	snop  }
__scs_overlays_trampoline_lowered:
0x8: {  	[smem:$0x3FA8] =	sst s0  }
0x9: {  	[smem:$0x3FA9] =	sst s1  }
0xa: {  	[smem:$0x3FAA] =	sst s2  }
0xb: {  	[smem:$0x3FAB] =	sst s3  }
0xc: {  	[smem:$0x3FAC] =	sst s4  }
0xd: {  	[smem:$0x3FAD] =	sst s5  }
0xe: {  	[smem:$0x3FAE] =	sst s6  }
0xf: {  	[smem:$0x3FAF] =	sst s7  }
0x10: {  	[smem:$0x3FB0] =	sst s8  }
0x11: {  	[smem:$0x3FB1] =	sst s9;
	s0 =	simm.s32 @!p0 $0x0  }
0x12: {  	s1 =	sld [smem:$0x3F97];
	s0 =	simm.s32 @p0 $0x1  }
0x13: {  	[smem:$0x3FB2] =	sst s0;
	s0 =	simm.s32 @!p1 $0x0  }
0x14: {  	s2 =	sld [smem:$0x3F96];
	s0 =	simm.s32 @p1 $0x1  }
0x15: {  	[smem:$0x3FB3] =	sst s0;
	s0 =	simm.s32 @!p2 $0x0  }
0x16: {  	s3 =	sld [smem:$0x3FDB];
	s0 =	simm.s32 @p2 $0x1  }
0x17: {  	s4 =	simm.s32 $0x1BF5;
	[smem:$0x3FB5] =	sst s0  }
0x18: {  	s0 =	sld [smem:$0x3F98];
	_ =	swait.ge [sflag:s4], $0x0  }
0x19: {  	s7 =	sld [smem:$0x3F99]  }
0x1a: {  	s8 =	sadd.s32 $0xFFFFE003, lr  }
0x1b: {  	s9 =	sadd.s32 $0xFFFFFEF7, lr;
	s5 =	simm.s32 $0xFFFFFFFF;
	p2 =	slt.u32 s8, $0xFFFFF086  }
0x1c: {  	p1 =	slt.u32 s9, $0xF7A;
	s5 =	simm.s32 @!p2 $0x0  }
0x1d: {  	s5 =	simm.s32 @p1 $0x1;
	p0 =	seq.s32 s7, s2  }
0x1e: {  	s7 =	smul.u32 @!p0 $0xF7A, s2;
	p2 =	seq.s32 @!p0 s5, $0x0  }
0x1f: {  	s9 =	smul.u32 $0xF7A, s1;
	s8 =	simm.s32 @!p0 $0x1BF5;
	p2 =	por !p2, p0  }
0x20: {  	[sflag:s8] =	ssyncset.s32 @!p0 $0xFFFFF086;
	s6 =	sadd.s32 @!p0 s3, s7;
	s7 =	simm.s32 @!p0 $0x108  }
0x21: {  	s3 =	sadd.s32 s3, s9;
	s6 =	sadd.s32 @!p0 $0x88, s6;
	s7 =	simm.s32 @p2 $0x1082  }
0x22: {  	[simem:s7], [sflag:s8] =	dma.local @!p0 [hbm:s6], $0xF7A  }
0x23: {  	s9 =	sor.u32 $0xD0000000, s2;
	s6 =	simm.s32 $0x108;
	_ =	swait.ge @!p0 [sflag:s8], $0x0  }
0x24: {  	s3 =	sadd.s32 $0x88, s3;
	s6 =	simm.s32 @!p1 $0x1082;
	[sflag:s4] =	ssyncset.s32 $0xFFFFF086  }
0x25: {  	[simem:s6], [sflag:s4] =	dma.local [hbm:s3], $0xF7A  }
0x26: {  	[smem:$0x3F99] =	sst s1;
	(tag) =	ssettag s2;
	_ =	strace s9  }
0x27: {  	s1 =	sld [smem:$0x3FA9]  }
0x28: {  	s2 =	sld [smem:$0x3FAA]  }
0x29: {  	s4 =	sld [smem:$0x3FAC]  }
0x2a: {  	p0 =	seq.s32 s5, $0x0;
	s5 =	sld [smem:$0x3FAD]  }
0x2b: {  	s6 =	sld [smem:$0x3FAE]  }
0x2c: {  	s7 =	sld [smem:$0x3FAF]  }
0x2d: {  	s3 =	simm.s32 $0x108;
	s8 =	sld [smem:$0x3FB0]  }
0x2e: {  	s3 =	simm.s32 @!p0 $0x1082;
	s9 =	sld [smem:$0x3FB1]  }
0x2f: {  	lr =	sadd.s32 s0, s3;
	s0 =	sld [smem:$0x3FA8]  }
0x30: {  	s3 =	sld [smem:$0x3FAB]  }
0x31: {  	[smem:$0x3FB4] =	sst s10  }
0x32: {  	s10 =	sld [smem:$0x3FB2];
	_ =	sdelay $0x3  }
0x33: {  	p0 =	seq.s32 s10, $0x1;
	s10 =	sld [smem:$0x3FB4];
	_ =	sdelay $0x3  }
0x34: {  	[smem:$0x3FB4] =	sst s10  }
0x35: {  	s10 =	sld [smem:$0x3FB3];
	_ =	sdelay $0x3  }
0x36: {  	p1 =	seq.s32 s10, $0x1;
	s10 =	sld [smem:$0x3FB4];
	_ =	sdelay $0x3  }
0x37: {  	[smem:$0x3FB4] =	sst s10  }
0x38: {  	s10 =	sld [smem:$0x3FB5]  }
0x39: {  	_ = 	snop;
	(pc) =	sbr.ind lr, $3  }
0x3a: {  	_ = 	snop  }
0x3b: {  	_ = 	snop  }
0x3c: {  	p2 =	seq.s32 s10, $0x1;
	s10 =	sld [smem:$0x3FB4]  }
0x3d: {  	_ =	shalt  }
0x3e: {  	_ =	shalt  }
0x3f: {  	_ =	shalt  }
0x40: {  	_ =	shalt  }
0x41: {  	_ =	shalt  }
0x42: {  	_ =	shalt  }
0x43: {  	_ =	shalt  }
0x44: {  	_ =	shalt  }
0x45: {  	_ =	shalt  }
0x46: {  	_ =	shalt  }
0x47: {  	_ =	shalt  }
0x48: {  	_ =	shalt  }
0x49: {  	_ =	shalt  }
0x4a: {  	_ =	shalt  }
0x4b: {  	_ =	shalt  }
0x4c: {  	_ =	shalt  }
0x4d: {  	_ =	shalt  }
0x4e: {  	_ =	shalt  }
0x4f: {  	_ =	shalt  }
0x50: {  	_ =	shalt  }
0x51: {  	_ =	shalt  }
0x52: {  	_ =	shalt  }
0x53: {  	_ =	shalt  }
0x54: {  	_ =	shalt  }
0x55: {  	_ =	shalt  }
0x56: {  	_ =	shalt  }
0x57: {  	_ =	shalt  }
0x58: {  	_ =	shalt  }
0x59: {  	_ =	shalt  }
0x5a: {  	_ =	shalt  }
0x5b: {  	_ =	shalt  }
0x5c: {  	_ =	shalt  }
0x5d: {  	_ =	shalt  }
0x5e: {  	_ =	shalt  }
0x5f: {  	_ =	shalt  }
0x60: {  	_ =	shalt  }
0x61: {  	_ =	shalt  }
0x62: {  	_ =	shalt  }
0x63: {  	_ =	shalt  }
0x64: {  	_ =	shalt  }
0x65: {  	_ =	shalt  }
0x66: {  	_ =	shalt  }
0x67: {  	_ =	shalt  }
0x68: {  	_ =	shalt  }
0x69: {  	_ =	shalt  }
0x6a: {  	_ =	shalt  }
0x6b: {  	_ =	shalt  }
0x6c: {  	_ =	shalt  }
0x6d: {  	_ =	shalt  }
0x6e: {  	_ =	shalt  }
0x6f: {  	_ =	shalt  }
0x70: {  	_ =	shalt  }
0x71: {  	_ =	shalt  }
0x72: {  	_ =	shalt  }
0x73: {  	_ =	shalt  }
0x74: {  	_ =	shalt  }
0x75: {  	_ =	shalt  }
0x76: {  	_ =	shalt  }
0x77: {  	_ =	shalt  }
0x78: {  	_ =	shalt  }
0x79: {  	_ =	shalt  }
0x7a: {  	_ =	shalt  }
0x7b: {  	_ =	shalt  }
0x7c: {  	_ =	shalt  }
0x7d: {  	_ =	shalt  }
0x7e: {  	_ =	shalt  }
0x7f: {  	_ =	shalt  }
0x80: {  	_ =	shalt  }
0x81: {  	_ =	shalt  }
0x82: {  	_ =	shalt  }
0x83: {  	_ =	shalt  }
0x84: {  	_ =	shalt  }
0x85: {  	_ =	shalt  }
0x86: {  	_ =	shalt  }
0x87: {  	_ =	shalt  }
.Lfunc_end0:
.L_simem_size_0:
called_computation.1_lowered:
.L_overlay_start_0:
0x88: {  	s2 =	sld [smem:$0x3FD9]  }
0x89: {  	s3 =	sld [smem:$0x3FFE];
	_ =	sdelay $0x1  }
0x8a: {  	s1 =	srdreg.scid  }
0x8b: {  	s0 =	sand.u32 $0x1, s1  }
0x8c: {  	s16 =	sshll.u32 s0, $0xA;
	s2 =	sadd.s32 s3, s2  }
0x8d: {  	s2 =	sadd.s32 s2, s16  }
0x8e: {  	[smem:$0x3FC0] =	sst s2  }
0x8f: {  	_ = 	snop  }
0x90: {  	(tm) =	ssettm $0x1  }
0x91: {  	s17 =	sld [smem:$0x3FFB];
	_ =	sdelay $0x3  }
0x92: {  	_ =	strace s17  }
0x93: {  	s2 =	sld [smem:$0x3FFC];
	_ =	sdelay $0x3  }
0x94: {  	_ =	strace s2  }
0x95: {  	s2 =	sld [smem:$0x3FFD];
	_ =	sdelay $0x3  }
0x96: {  	_ =	strace s2  }
0x97: {  	_ =	strace $0x8FFFFFFF  }
0x98: {  	s18 =	sld [smem:$0x3FDB];
	_ =	sdelay $0x1  }
0x99: {  	s19 =	simm.s32 $_scs_section_size  }
0x9a: {  	s4 =	simm.s32 $_size__tile_overlayer_lowered;
	s5 =	simm.s32 $_tile_overlayer_lowered  }
0x9b: {  	s22 =	simm.s32 $0x1BFF;
	s21 =	sshll.u32 s5, $0x1;
	s2 =	sadd.s32 s19, s18  }
0x9c: {  	s6 =	simm.s32 $0x0;
	s20 =	sshll.u32 s4, $0x1;
	s4 =	sadd.s32 s21, s2  }
0x9d: {  	[timem:s6], [sflag:s22] =	dma.local [hbm:s4], s20  }
0x9e: {  	_ =	swait.ge [sflag:s22], s20  }
0x9f: {  	s3 =	ssub.s32 $0x0, s20;
	[sflag:s22] =	ssyncset.done $0x0  }
0xa0: {  	[sflag:s22] =	ssyncadd.s32 s3;
	_ =	sdelay $0x1  }
0xa1: {  	s23 =	simm.s32 $0x1B8B  }
0xa2: {  	_ =	swait.ge [sflag:s23], $0x1  }
0xa3: {  	[sflag:s23] =	ssyncset.done $0x0  }
0xa4: {  	s25 =	simm.s32 $0x1B8E;
	s24 =	sld [smem:$0x3FFE];
	[sflag:s23] =	ssyncadd.s32 $0xFFFFFFFF  }
0xa5: {  	s26 =	simm.s32 $execute0_lowered;
	[smem:$0x3FD2] =	sst s25  }
0xa6: {  	s4 =	sshll.u32 s26, $0x1;
	_ =	strace $0x80000049;
	[dreg:$0x1] =	wrdreg $0xFFFFFFFF  }
0xa7: {  	s28 =	simm.s32 $_size_execute0_lowered;
	s2 =	sadd.s32 s2, s4;
	[dreg:$0x0] =	wrdreg $0x0  }
0xa8: {  	s4 =	sshll.u32 s28, $0x1;
	[dreg:$0x2] =	wrdreg s2  }
0xa9: {  	[dreg:$0x3] =	wrdreg s4  }
0xaa: {  	[dreg:$0x4] =	wrdreg $0xC0  }
0xab: {  	_ =	task [dreg:s6], $0x5FFFF  }
0xac: {  	[dreg:$0x1] =	wrdreg $0xFFFFFFFF  }
0xad: {  	[dreg:$0x0] =	wrdreg $0x60  }
0xae: {  	[dreg:$0x2] =	wrdreg s24  }
0xaf: {  	[dreg:$0x3] =	wrdreg $0x9  }
0xb0: {  	_ =	task.clear_ibuf [dreg:s6], $0x4FFFF;
	_ =	strace $0x90000049  }
0xb1: {  	s29 =	simm.s32 $0x9;
	_ =	strace $0x8000004B  }
0xb2: {  	_ =	swait.ge [sflag:s29], $0x1  }
0xb3: {  	[sflag:s29] =	ssyncadd.s32 $0xFFFFFFFF  }
0xb4: {  	_ =	strace $0x9000004B  }
0xb5: {  	_ =	sfence  }
0xb6: {  	s30 =	sld [smem:$0x0];
	_ =	sdelay $0x2  }
0xb7: {  	s31 =	sshll.u32 s1, $0xD;
	s1 =	sshrl.u32 s1, $0x2  }
0xb8: {  	s3 =	sand.u32 $0x4000, s31;
	s1 =	sadd.s32 s1, s30  }
0xb9: {  	s0 =	sor.u32 s3, s0;
	s1 =	sshll.u32 s1, $0x11  }
0xba: {  	s0 =	sor.u32 s1, s0  }
0xbb: {  	s0 =	sadd.s32 $0x8F2B, s0  }
0xbc: {  	[sflag:s0] =	ssyncadd.remote.s32 $0x1  }
0xbd: {  	_ =	sfence.sel $0xFFFF  }
0xbe: {  	[dreg:$0x0] =	wrdreg $0xFFFFFFFF;
	(pc) =	sbr.abs _section_cstart, $3  }
0xbf: {  	[dreg:$0x1] =	wrdreg $0xFFFFFFFF  }
0xc0: {  	_ =	task.clear_ibuf [dreg:s6], $0x2FFFF;
	_ =	strace $0x9FFFFFFF  }
0xc1: {  	(tm) =	ssettm $0x7FFFFFFF  }
tec
execute0_lowered:
.L_overlay_start_1:
0x0: {  	(tag) =	ssettag $0x1  }
0x1: {  	s0 =	srdreg.scid  }
0x2: {  	s2 =	stileid.u32;
	s1 =	rddreg [dreg:$0x0];
	s18 =	simm.s32 $0x1  }
0x3: {  	s20 =	simm.s32 $0x880;
	s21 =	simm.s32 $0x1080;
	s22 =	simm.s32 $0x1880  }
0x4: {  	s23 =	simm.s32 $0x2080;
	s28 =	simm.s32 $0x4080;
	s29 =	simm.s32 $0x4880  }
0x5: {  	s30 =	simm.s32 $0x5080;
	s31 =	simm.s32 $0x5880;
	s10 =	simm.s32 $0x7080  }
0x6: {  	s11 =	simm.s32 $0x7880;
	s12 =	simm.s32 $0x8080;
	s13 =	simm.s32 $0x8880  }
0x7: {  	s14 =	simm.s32 $0x9080;
	s15 =	simm.s32 $0x9880;
	s16 =	simm.s32 $0xA080  }
0x8: {  	s0 =	sand.u32 $0x1, s0;
	s3 =	sshll.u32 s2, $0x7;
	s2 =	simm.s32 $0x0  }
0x9: {  	s17 =	simm.s32 $0xA880;
	s4 =	sshll.u32 s0, $0x6;
	[smem:$0x7FF] =	sst s2  }
0xa: {  	s0 =	ssub.s32 $0x2, s0;
	s4 =	sor.u32 s4, s3;
	_ =	strace $0x8000004A  }
0xb: {  	s5 =	sshrl.u32 s0, $0x1;
	s3 =	sshrl.u32 s4, $0x3;
	s4 =	sshll.u32 s4, $0x7  }
0xc: {  	s0 =	ssub.s32 s0, s5;
	s5 =	sadd.s32 $0xCAC00, s1;
	s6 =	sadd.s32 s3, s1  }
0xd: {  	s3 =	sadd.s32 $0xCAA00, s1;
	s7 =	sadd.s32 s4, s1;
	s24 =	sadd.s32 $0x2400, s6  }
0xe: {  	s4 =	sadd.s32 $0xCAB00, s1;
	s8 =	sadd.s32 $0xA800, s7;
	[dreg:$0x2] =	wrdreg s24  }
0xf: {  	s25 =	sadd.s32 $0x2600, s6;
	s6 =	sadd.s32 $0xCAD00, s1;
	[dreg:$0x3] =	wrdreg s8  }
0x10: {  	v2 =	vlaneseq.u32;
	s26 =	sadd.s32 $0x4A800, s7;
	s7 =	smax.u32 s0, $0x1;
	[dreg:$0x4] =	wrdreg s25  }
0x11: {  	vm0 =	vmmov $0xffff;
	v1 =	vshrl.u32 v2, $0x3;
	s0 =	simm.s32 $0x80;
	[dreg:$0x5] =	wrdreg s26;
	s8 =	simm.s32 $0x2  }
0x12: {  	v0 =	vand.u32 $0x7, v2;
	v2 =	vor.u32 $0x8, v2;
	v1 =	vmul.u32 $0x8, v1;
	s24 =	simm.s32 $0x2880;
	s25 =	simm.s32 $0x3080;
	s26 =	simm.s32 $0x3880  }
.LBB2_1:
0x13: {  	s19 =	rddreg [dreg:$0x2]  }
0x14: {  	[tilespmem:s2], [sflag:$0x2] =	stream.linear.gather [hbm4b:s19+s2], $0x40, $0x38;
	[tilespmem:$0x10080] =	vst v63  }
0x15: {  	_ =	swait.ge [sflag:s8], $0x40  }
0x16: {  	[sflag:s8] =	ssyncset.done $0x0  }
0x17: {  	[sflag:s8] =	ssyncadd.s32 $0xFFFFFFC0  }
0x18: {  	v3 =	vld [tilespmem:$0x0];
	_ =	sdelay $0x4  }
0x19: {  	v4 =	vshll.u32 v3, $0x3  }
0x1a: {  	v3 =	vand.u32 $0x7, v3;
	v4 =	vand.u32 $0xFFFFFFC0, v4  }
0x1b: {  	v3 =	vor.u32 v3, v4  }
0x1c: {  	v4 =	vperm.xlane v3, v0;
	_ =	sdelay $0x1  }
0x1d: {  	v4 =	vadd.s32 v1, v4;
	_ =	sdelay $0x4  }
0x1e: {  	[tilespmem:s0], [sflag:$0x1] =	stream.indirect_vreg.gather [hbm4b:s3+s2], $0x80, v4, vm0, $0xb8;
	[tilespmem:$0x10080] =	vst v63  }
0x1f: {  	v3 =	vperm.xlane v3, v2  }
0x20: {  	[tilespmem:s20], [sflag:$0x1] =	stream.indirect_vreg.gather [hbm4b:s4+s2], $0x80, v4, vm0, $0xb8;
	[tilespmem:$0x10080] =	vst v63  }
0x21: {  	v3 =	vadd.s32 v1, v3  }
0x22: {  	[tilespmem:s21], [sflag:$0x1] =	stream.indirect_vreg.gather [hbm4b:s5+s2], $0x80, v4, vm0, $0xb8;
	[tilespmem:$0x10080] =	vst v63  }
0x23: {  	_ = 	snop  }
0x24: {  	[tilespmem:s22], [sflag:$0x1] =	stream.indirect_vreg.gather [hbm4b:s6+s2], $0x80, v4, vm0, $0xb8;
	[tilespmem:$0x10080] =	vst v63  }
0x25: {  	_ = 	snop  }
0x26: {  	[tilespmem:s23], [sflag:$0x1] =	stream.indirect_vreg.gather [hbm4b:s3+s2], $0x80, v3, vm0, $0xb8;
	[tilespmem:$0x10080] =	vst v63  }
0x27: {  	_ = 	snop  }
0x28: {  	[tilespmem:s24], [sflag:$0x1] =	stream.indirect_vreg.gather [hbm4b:s4+s2], $0x80, v3, vm0, $0xb8;
	[tilespmem:$0x10080] =	vst v63  }
0x29: {  	_ = 	snop  }
0x2a: {  	[tilespmem:s25], [sflag:$0x1] =	stream.indirect_vreg.gather [hbm4b:s5+s2], $0x80, v3, vm0, $0xb8;
	[tilespmem:$0x10080] =	vst v63  }
0x2b: {  	_ = 	snop  }
0x2c: {  	[tilespmem:s26], [sflag:$0x1] =	stream.indirect_vreg.gather [hbm4b:s6+s2], $0x80, v3, vm0, $0xb8;
	[tilespmem:$0x10080] =	vst v63  }
0x2d: {  	v3 =	vld [tilespmem:$0x10];
	_ =	sdelay $0x4  }
0x2e: {  	v57 =	vshll.u32 v3, $0x3  }
0x2f: {  	v3 =	vand.u32 $0x7, v3;
	v4 =	vand.u32 $0xFFFFFFC0, v57  }
0x30: {  	v3 =	vor.u32 v3, v4  }
0x31: {  	v4 =	vperm.xlane v3, v0;
	_ =	sdelay $0x1  }
0x32: {  	v4 =	vadd.s32 v1, v4;
	_ =	sdelay $0x4  }
0x33: {  	[tilespmem:s28], [sflag:$0x1] =	stream.indirect_vreg.gather [hbm4b:s3+s2], $0x80, v4, vm0, $0xb8;
	[tilespmem:$0x10080] =	vst v63  }
0x34: {  	v3 =	vperm.xlane v3, v2  }
0x35: {  	[tilespmem:s29], [sflag:$0x1] =	stream.indirect_vreg.gather [hbm4b:s4+s2], $0x80, v4, vm0, $0xb8;
	[tilespmem:$0x10080] =	vst v63  }
0x36: {  	v3 =	vadd.s32 v1, v3  }
0x37: {  	[tilespmem:s30], [sflag:$0x1] =	stream.indirect_vreg.gather [hbm4b:s5+s2], $0x80, v4, vm0, $0xb8;
	[tilespmem:$0x10080] =	vst v63  }
0x38: {  	_ = 	snop  }
0x39: {  	[tilespmem:s31], [sflag:$0x1] =	stream.indirect_vreg.gather [hbm4b:s6+s2], $0x80, v4, vm0, $0xb8;
	[tilespmem:$0x10080] =	vst v63  }
0x3a: {  	s1 =	simm.s32 $0x6080  }
0x3b: {  	[tilespmem:s1], [sflag:$0x1] =	stream.indirect_vreg.gather [hbm4b:s3+s2], $0x80, v3, vm0, $0xb8;
	[tilespmem:$0x10080] =	vst v63  }
0x3c: {  	s9 =	simm.s32 $0x6880  }
0x3d: {  	[tilespmem:s9], [sflag:$0x1] =	stream.indirect_vreg.gather [hbm4b:s4+s2], $0x80, v3, vm0, $0xb8;
	[tilespmem:$0x10080] =	vst v63  }
0x3e: {  	_ = 	snop  }
0x3f: {  	[tilespmem:s10], [sflag:$0x1] =	stream.indirect_vreg.gather [hbm4b:s5+s2], $0x80, v3, vm0, $0xb8;
	[tilespmem:$0x10080] =	vst v63  }
0x40: {  	_ = 	snop  }
0x41: {  	[tilespmem:s11], [sflag:$0x1] =	stream.indirect_vreg.gather [hbm4b:s6+s2], $0x80, v3, vm0, $0xb8;
	[tilespmem:$0x10080] =	vst v63  }
0x42: {  	v3 =	vld [tilespmem:$0x20];
	_ =	sdelay $0x4  }
0x43: {  	v58 =	vshll.u32 v3, $0x3  }
0x44: {  	v3 =	vand.u32 $0x7, v3;
	v4 =	vand.u32 $0xFFFFFFC0, v58  }
0x45: {  	v3 =	vor.u32 v3, v4  }
0x46: {  	v4 =	vperm.xlane v3, v0;
	_ =	sdelay $0x1  }
0x47: {  	v4 =	vadd.s32 v1, v4;
	_ =	sdelay $0x4  }
0x48: {  	[tilespmem:s12], [sflag:$0x1] =	stream.indirect_vreg.gather [hbm4b:s3+s2], $0x80, v4, vm0, $0xb8;
	[tilespmem:$0x10080] =	vst v63  }
0x49: {  	v3 =	vperm.xlane v3, v2  }
0x4a: {  	[tilespmem:s13], [sflag:$0x1] =	stream.indirect_vreg.gather [hbm4b:s4+s2], $0x80, v4, vm0, $0xb8;
	[tilespmem:$0x10080] =	vst v63  }
0x4b: {  	v3 =	vadd.s32 v1, v3  }
0x4c: {  	[tilespmem:s14], [sflag:$0x1] =	stream.indirect_vreg.gather [hbm4b:s5+s2], $0x80, v4, vm0, $0xb8;
	[tilespmem:$0x10080] =	vst v63  }
0x4d: {  	_ = 	snop  }
0x4e: {  	[tilespmem:s15], [sflag:$0x1] =	stream.indirect_vreg.gather [hbm4b:s6+s2], $0x80, v4, vm0, $0xb8;
	[tilespmem:$0x10080] =	vst v63  }
0x4f: {  	_ = 	snop  }
0x50: {  	[tilespmem:s16], [sflag:$0x1] =	stream.indirect_vreg.gather [hbm4b:s3+s2], $0x80, v3, vm0, $0xb8;
	[tilespmem:$0x10080] =	vst v63  }
0x51: {  	_ = 	snop  }
0x52: {  	[tilespmem:s17], [sflag:$0x1] =	stream.indirect_vreg.gather [hbm4b:s4+s2], $0x80, v3, vm0, $0xb8;
	[tilespmem:$0x10080] =	vst v63  }
0x53: {  	s9 =	simm.s32 $0xB080  }
0x54: {  	[tilespmem:s9], [sflag:$0x1] =	stream.indirect_vreg.gather [hbm4b:s5+s2], $0x80, v3, vm0, $0xb8;
	[tilespmem:$0x10080] =	vst v63  }
0x55: {  	s19 =	simm.s32 $0xB880  }
0x56: {  	[tilespmem:s19], [sflag:$0x1] =	stream.indirect_vreg.gather [hbm4b:s6+s2], $0x80, v3, vm0, $0xb8;
	[tilespmem:$0x10080] =	vst v63  }
0x57: {  	v3 =	vld [tilespmem:$0x30];
	_ =	sdelay $0x4  }
0x58: {  	v59 =	vshll.u32 v3, $0x3  }
0x59: {  	v3 =	vand.u32 $0x7, v3;
	v4 =	vand.u32 $0xFFFFFFC0, v59  }
0x5a: {  	v3 =	vor.u32 v3, v4  }
0x5b: {  	v4 =	vperm.xlane v3, v0;
	_ =	sdelay $0x1  }
0x5c: {  	v4 =	vadd.s32 v1, v4;
	_ =	sdelay $0x3  }
0x5d: {  	s19 =	simm.s32 $0xC080  }
0x5e: {  	[tilespmem:s19], [sflag:$0x1] =	stream.indirect_vreg.gather [hbm4b:s3+s2], $0x80, v4, vm0, $0xb8;
	[tilespmem:$0x10080] =	vst v63  }
0x5f: {  	v3 =	vperm.xlane v3, v2;
	s19 =	simm.s32 $0xC880  }
0x60: {  	[tilespmem:s19], [sflag:$0x1] =	stream.indirect_vreg.gather [hbm4b:s4+s2], $0x80, v4, vm0, $0xb8;
	[tilespmem:$0x10080] =	vst v63  }
0x61: {  	v3 =	vadd.s32 v1, v3;
	s19 =	simm.s32 $0xD080  }
0x62: {  	[tilespmem:s19], [sflag:$0x1] =	stream.indirect_vreg.gather [hbm4b:s5+s2], $0x80, v4, vm0, $0xb8;
	[tilespmem:$0x10080] =	vst v63  }
0x63: {  	s19 =	simm.s32 $0xD880  }
0x64: {  	[tilespmem:s19], [sflag:$0x1] =	stream.indirect_vreg.gather [hbm4b:s6+s2], $0x80, v4, vm0, $0xb8;
	[tilespmem:$0x10080] =	vst v63  }
0x65: {  	s19 =	simm.s32 $0xE080  }
0x66: {  	[tilespmem:s19], [sflag:$0x1] =	stream.indirect_vreg.gather [hbm4b:s3+s2], $0x80, v3, vm0, $0xb8;
	[tilespmem:$0x10080] =	vst v63  }
0x67: {  	s19 =	simm.s32 $0xE880  }
0x68: {  	[tilespmem:s19], [sflag:$0x1] =	stream.indirect_vreg.gather [hbm4b:s4+s2], $0x80, v3, vm0, $0xb8;
	[tilespmem:$0x10080] =	vst v63  }
0x69: {  	s19 =	simm.s32 $0xF080  }
0x6a: {  	[tilespmem:s19], [sflag:$0x1] =	stream.indirect_vreg.gather [hbm4b:s5+s2], $0x80, v3, vm0, $0xb8;
	[tilespmem:$0x10080] =	vst v63  }
0x6b: {  	s19 =	simm.s32 $0xF880  }
0x6c: {  	[tilespmem:s19], [sflag:$0x1] =	stream.indirect_vreg.gather [hbm4b:s6+s2], $0x80, v3, vm0, $0xb8;
	[tilespmem:$0x10080] =	vst v63  }
0x6d: {  	_ =	swait.ge [sflag:s18], $0x10000  }
0x6e: {  	[sflag:s18] =	ssyncset.done $0x0  }
0x6f: {  	s19 =	rddreg [dreg:$0x3];
	[sflag:s18] =	ssyncadd.s32 $0xFFFF0000  }
0x70: {  	[hbm4b:s19+s2] =	stream.linear.scatter [tilespmem:s0], [sflag:$0x2], $0x10000, $0x38;
	[tilespmem:$0x10080] =	vst v63  }
0x71: {  	_ =	swait.ge [sflag:s8], $0x10000  }
0x72: {  	[sflag:s8] =	ssyncset.done $0x0  }
0x73: {  	s19 =	rddreg [dreg:$0x4];
	[sflag:s8] =	ssyncadd.s32 $0xFFFF0000  }
0x74: {  	[tilespmem:s2], [sflag:$0x2] =	stream.linear.gather [hbm4b:s19+s2], $0x40, $0x38;
	[tilespmem:$0x10080] =	vst v63  }
0x75: {  	_ =	swait.ge [sflag:s8], $0x40  }
0x76: {  	[sflag:s8] =	ssyncset.done $0x0  }
0x77: {  	[sflag:s8] =	ssyncadd.s32 $0xFFFFFFC0  }
0x78: {  	v3 =	vld [tilespmem:$0x0];
	_ =	sdelay $0x4  }
0x79: {  	v60 =	vshll.u32 v3, $0x3  }
0x7a: {  	v3 =	vand.u32 $0x7, v3;
	v4 =	vand.u32 $0xFFFFFFC0, v60  }
0x7b: {  	v3 =	vor.u32 v3, v4  }
0x7c: {  	v4 =	vperm.xlane v3, v0;
	_ =	sdelay $0x1  }
0x7d: {  	v4 =	vadd.s32 v1, v4;
	_ =	sdelay $0x4  }
0x7e: {  	[tilespmem:s0], [sflag:$0x1] =	stream.indirect_vreg.gather [hbm4b:s3+s2], $0x80, v4, vm0, $0xb8;
	[tilespmem:$0x10080] =	vst v63  }
0x7f: {  	v3 =	vperm.xlane v3, v2  }
0x80: {  	[tilespmem:s20], [sflag:$0x1] =	stream.indirect_vreg.gather [hbm4b:s4+s2], $0x80, v4, vm0, $0xb8;
	[tilespmem:$0x10080] =	vst v63  }
0x81: {  	v3 =	vadd.s32 v1, v3  }
0x82: {  	[tilespmem:s21], [sflag:$0x1] =	stream.indirect_vreg.gather [hbm4b:s5+s2], $0x80, v4, vm0, $0xb8;
	[tilespmem:$0x10080] =	vst v63  }
0x83: {  	_ = 	snop  }
0x84: {  	[tilespmem:s22], [sflag:$0x1] =	stream.indirect_vreg.gather [hbm4b:s6+s2], $0x80, v4, vm0, $0xb8;
	[tilespmem:$0x10080] =	vst v63  }
0x85: {  	_ = 	snop  }
0x86: {  	[tilespmem:s23], [sflag:$0x1] =	stream.indirect_vreg.gather [hbm4b:s3+s2], $0x80, v3, vm0, $0xb8;
	[tilespmem:$0x10080] =	vst v63  }
0x87: {  	_ = 	snop  }
0x88: {  	[tilespmem:s24], [sflag:$0x1] =	stream.indirect_vreg.gather [hbm4b:s4+s2], $0x80, v3, vm0, $0xb8;
	[tilespmem:$0x10080] =	vst v63  }
0x89: {  	_ = 	snop  }
0x8a: {  	[tilespmem:s25], [sflag:$0x1] =	stream.indirect_vreg.gather [hbm4b:s5+s2], $0x80, v3, vm0, $0xb8;
	[tilespmem:$0x10080] =	vst v63  }
0x8b: {  	_ = 	snop  }
0x8c: {  	[tilespmem:s26], [sflag:$0x1] =	stream.indirect_vreg.gather [hbm4b:s6+s2], $0x80, v3, vm0, $0xb8;
	[tilespmem:$0x10080] =	vst v63  }
0x8d: {  	v3 =	vld [tilespmem:$0x10];
	_ =	sdelay $0x4  }
0x8e: {  	v61 =	vshll.u32 v3, $0x3  }
0x8f: {  	v3 =	vand.u32 $0x7, v3;
	v4 =	vand.u32 $0xFFFFFFC0, v61  }
0x90: {  	v3 =	vor.u32 v3, v4  }
0x91: {  	v4 =	vperm.xlane v3, v0;
	_ =	sdelay $0x1  }
0x92: {  	v4 =	vadd.s32 v1, v4;
	_ =	sdelay $0x4  }
0x93: {  	[tilespmem:s28], [sflag:$0x1] =	stream.indirect_vreg.gather [hbm4b:s3+s2], $0x80, v4, vm0, $0xb8;
	[tilespmem:$0x10080] =	vst v63  }
0x94: {  	v3 =	vperm.xlane v3, v2  }
0x95: {  	[tilespmem:s29], [sflag:$0x1] =	stream.indirect_vreg.gather [hbm4b:s4+s2], $0x80, v4, vm0, $0xb8;
	[tilespmem:$0x10080] =	vst v63  }
0x96: {  	v3 =	vadd.s32 v1, v3  }
0x97: {  	[tilespmem:s30], [sflag:$0x1] =	stream.indirect_vreg.gather [hbm4b:s5+s2], $0x80, v4, vm0, $0xb8;
	[tilespmem:$0x10080] =	vst v63  }
0x98: {  	_ = 	snop  }
0x99: {  	[tilespmem:s31], [sflag:$0x1] =	stream.indirect_vreg.gather [hbm4b:s6+s2], $0x80, v4, vm0, $0xb8;
	[tilespmem:$0x10080] =	vst v63  }
0x9a: {  	_ = 	snop  }
0x9b: {  	[tilespmem:s1], [sflag:$0x1] =	stream.indirect_vreg.gather [hbm4b:s3+s2], $0x80, v3, vm0, $0xb8;
	[tilespmem:$0x10080] =	vst v63  }
0x9c: {  	s19 =	simm.s32 $0x6880  }
0x9d: {  	[tilespmem:s19], [sflag:$0x1] =	stream.indirect_vreg.gather [hbm4b:s4+s2], $0x80, v3, vm0, $0xb8;
	[tilespmem:$0x10080] =	vst v63  }
0x9e: {  	_ = 	snop  }
0x9f: {  	[tilespmem:s10], [sflag:$0x1] =	stream.indirect_vreg.gather [hbm4b:s5+s2], $0x80, v3, vm0, $0xb8;
	[tilespmem:$0x10080] =	vst v63  }
0xa0: {  	_ = 	snop  }
0xa1: {  	[tilespmem:s11], [sflag:$0x1] =	stream.indirect_vreg.gather [hbm4b:s6+s2], $0x80, v3, vm0, $0xb8;
	[tilespmem:$0x10080] =	vst v63  }
0xa2: {  	v3 =	vld [tilespmem:$0x20];
	_ =	sdelay $0x4  }
0xa3: {  	v62 =	vshll.u32 v3, $0x3  }
0xa4: {  	v3 =	vand.u32 $0x7, v3;
	v4 =	vand.u32 $0xFFFFFFC0, v62  }
0xa5: {  	v3 =	vor.u32 v3, v4  }
0xa6: {  	v4 =	vperm.xlane v3, v0;
	_ =	sdelay $0x1  }
0xa7: {  	v4 =	vadd.s32 v1, v4;
	_ =	sdelay $0x4  }
0xa8: {  	[tilespmem:s12], [sflag:$0x1] =	stream.indirect_vreg.gather [hbm4b:s3+s2], $0x80, v4, vm0, $0xb8;
	[tilespmem:$0x10080] =	vst v63  }
0xa9: {  	v3 =	vperm.xlane v3, v2  }
0xaa: {  	[tilespmem:s13], [sflag:$0x1] =	stream.indirect_vreg.gather [hbm4b:s4+s2], $0x80, v4, vm0, $0xb8;
	[tilespmem:$0x10080] =	vst v63  }
0xab: {  	v3 =	vadd.s32 v1, v3  }
0xac: {  	[tilespmem:s14], [sflag:$0x1] =	stream.indirect_vreg.gather [hbm4b:s5+s2], $0x80, v4, vm0, $0xb8;
	[tilespmem:$0x10080] =	vst v63  }
0xad: {  	_ = 	snop  }
0xae: {  	[tilespmem:s15], [sflag:$0x1] =	stream.indirect_vreg.gather [hbm4b:s6+s2], $0x80, v4, vm0, $0xb8;
	[tilespmem:$0x10080] =	vst v63  }
0xaf: {  	_ = 	snop  }
0xb0: {  	[tilespmem:s16], [sflag:$0x1] =	stream.indirect_vreg.gather [hbm4b:s3+s2], $0x80, v3, vm0, $0xb8;
	[tilespmem:$0x10080] =	vst v63  }
0xb1: {  	_ = 	snop  }
0xb2: {  	[tilespmem:s17], [sflag:$0x1] =	stream.indirect_vreg.gather [hbm4b:s4+s2], $0x80, v3, vm0, $0xb8;
	[tilespmem:$0x10080] =	vst v63  }
0xb3: {  	_ = 	snop  }
0xb4: {  	[tilespmem:s9], [sflag:$0x1] =	stream.indirect_vreg.gather [hbm4b:s5+s2], $0x80, v3, vm0, $0xb8;
	[tilespmem:$0x10080] =	vst v63  }
0xb5: {  	s19 =	simm.s32 $0xB880  }
0xb6: {  	[tilespmem:s19], [sflag:$0x1] =	stream.indirect_vreg.gather [hbm4b:s6+s2], $0x80, v3, vm0, $0xb8;
	[tilespmem:$0x10080] =	vst v63  }
0xb7: {  	v3 =	vld [tilespmem:$0x30];
	_ =	sdelay $0x4  }
0xb8: {  	v63 =	vshll.u32 v3, $0x3  }
0xb9: {  	v3 =	vand.u32 $0x7, v3;
	v4 =	vand.u32 $0xFFFFFFC0, v63  }
0xba: {  	v3 =	vor.u32 v3, v4  }
0xbb: {  	v4 =	vperm.xlane v3, v0;
	_ =	sdelay $0x1  }
0xbc: {  	v4 =	vadd.s32 v1, v4;
	_ =	sdelay $0x3  }
0xbd: {  	s9 =	simm.s32 $0xC080  }
0xbe: {  	[tilespmem:s9], [sflag:$0x1] =	stream.indirect_vreg.gather [hbm4b:s3+s2], $0x80, v4, vm0, $0xb8;
	[tilespmem:$0x10080] =	vst v63  }
0xbf: {  	s19 =	simm.s32 $0xC880;
	v3 =	vperm.xlane v3, v2  }
0xc0: {  	[tilespmem:s19], [sflag:$0x1] =	stream.indirect_vreg.gather [hbm4b:s4+s2], $0x80, v4, vm0, $0xb8;
	[tilespmem:$0x10080] =	vst v63  }
0xc1: {  	v3 =	vadd.s32 v1, v3;
	s9 =	simm.s32 $0xD080  }
0xc2: {  	[tilespmem:s9], [sflag:$0x1] =	stream.indirect_vreg.gather [hbm4b:s5+s2], $0x80, v4, vm0, $0xb8;
	[tilespmem:$0x10080] =	vst v63  }
0xc3: {  	s19 =	simm.s32 $0xD880  }
0xc4: {  	[tilespmem:s19], [sflag:$0x1] =	stream.indirect_vreg.gather [hbm4b:s6+s2], $0x80, v4, vm0, $0xb8;
	[tilespmem:$0x10080] =	vst v63  }
0xc5: {  	s9 =	simm.s32 $0xE080  }
0xc6: {  	[tilespmem:s9], [sflag:$0x1] =	stream.indirect_vreg.gather [hbm4b:s3+s2], $0x80, v3, vm0, $0xb8;
	[tilespmem:$0x10080] =	vst v63  }
0xc7: {  	s19 =	simm.s32 $0xE880  }
0xc8: {  	[tilespmem:s19], [sflag:$0x1] =	stream.indirect_vreg.gather [hbm4b:s4+s2], $0x80, v3, vm0, $0xb8;
	[tilespmem:$0x10080] =	vst v63  }
0xc9: {  	s9 =	simm.s32 $0xF080  }
0xca: {  	[tilespmem:s9], [sflag:$0x1] =	stream.indirect_vreg.gather [hbm4b:s5+s2], $0x80, v3, vm0, $0xb8;
	[tilespmem:$0x10080] =	vst v63  }
0xcb: {  	s19 =	simm.s32 $0xF880  }
0xcc: {  	[tilespmem:s19], [sflag:$0x1] =	stream.indirect_vreg.gather [hbm4b:s6+s2], $0x80, v3, vm0, $0xb8;
	[tilespmem:$0x10080] =	vst v63  }
0xcd: {  	_ =	swait.ge [sflag:s18], $0x10000  }
0xce: {  	p0 =	sne.s32 s7, $0x1;
	[sflag:s18] =	ssyncset.done $0x0  }
.Ltmp0:
0xcf: {  	s9 =	rddreg [dreg:$0x5];
	[sflag:s18] =	ssyncadd.s32 $0xFFFF0000;
	(pc) =	sbr.rel @p0 .LBB2_1-.Ltmp0, $4  }
0xd0: {  	[hbm4b:s9+s2] =	stream.linear.scatter [tilespmem:s0], [sflag:$0x2], $0x10000, $0x38;
	[tilespmem:$0x10080] =	vst v63  }
0xd1: {  	_ =	swait.ge [sflag:s8], $0x10000  }
0xd2: {  	[sflag:s8] =	ssyncset.done $0x0  }
0xd3: {  	s7 =	sadd.s32 $0xFFFFFFFF, s7;
	[sflag:s8] =	ssyncadd.s32 $0xFFFF0000  }
0xd4: {  	_ =	sfence.sel $0x180000  }
0xd5: {  	[bflag:$0x0] =	sbarrier.arrive $0xFFFF  }
0xd6: {  	_ =	strace $0x9000004A  }
0xd7: {  	s0 =	stileid.u32;
	[bflag:$0x2] =	sbarrier.arrive $0xFFFF  }
0xd8: {  	p0 =	sne.s32 s0, $0x0;
	s0 =	rddreg [dreg:$0x1]  }
0xd9: {  	s0 =	sadd.s32 @!p0 $0x100000, s0  }
0xda: {  	[sflag:s0] =	ssyncadd.tile.s32 @!p0 $0x1;
	_ =	shalt  }
.Lfunc_end2:
_tile_overlayer_lowered:
.L_overlay_start_2:
0xdb: {  	(tag) =	ssettag $0x2  }
0xdc: {  	s0 =	rddreg [dreg:$0x0];
	s2 =	stileid.u32  }
0xdd: {  	s1 =	rddreg [dreg:$0x1];
	p0 =	sne.s32 s2, $0x0  }
0xde: {  	s3 =	rddreg [dreg:$0x2];
	[bflag:$0x3] =	sbarrier.arrive $0xFFFF;
	s2 =	simm.s32 @!p0 $0x1C02  }
0xdf: {  	[timem:s3], [sflag:s2] =	dma.local @!p0 [hbm:s0], s1  }
0xe0: {  	s0 =	simm.s32 @!p0 $0x2  }
0xe1: {  	_ =	swait.ge @!p0 [sflag:s0], s1  }
0xe2: {  	s1 =	ssub.s32 @!p0 $0x0, s1;
	[sflag:s0] =	ssyncset.done @!p0 $0x0  }
0xe3: {  	[sflag:s0] =	ssyncadd.s32 @!p0 s1  }
0xe4: {  	[bflag:$0x3] =	sbarrier.arrive $0xFFFF  }
0xe5: {  	_ =	shalt  }

// kernel: kernel.7.cloned.1.call-start
scs
__scs_entry_jumppad:
0x0: {  	(pc) =	sbr.rel $0x88, $3  }
0x1: {  	(tag) =	ssettag $0x0;
	lr =	simm.s32 $0x1  }
0x2: {  	[smem:$0x3F99] =	sst lr;
	_ =	strace $0xD0000000  }
0x3: {  	_ = 	snop  }
0x4: {  	_ = 	snop  }
0x5: {  	_ = 	snop  }
0x6: {  	_ = 	snop  }
0x7: {  	_ = 	snop  }
__scs_overlays_trampoline_lowered:
0x8: {  	[smem:$0x3FA8] =	sst s0  }
0x9: {  	[smem:$0x3FA9] =	sst s1  }
0xa: {  	[smem:$0x3FAA] =	sst s2  }
0xb: {  	[smem:$0x3FAB] =	sst s3  }
0xc: {  	[smem:$0x3FAC] =	sst s4  }
0xd: {  	[smem:$0x3FAD] =	sst s5  }
0xe: {  	[smem:$0x3FAE] =	sst s6  }
0xf: {  	[smem:$0x3FAF] =	sst s7  }
0x10: {  	[smem:$0x3FB0] =	sst s8  }
0x11: {  	[smem:$0x3FB1] =	sst s9;
	s0 =	simm.s32 @!p0 $0x0  }
0x12: {  	s1 =	sld [smem:$0x3F97];
	s0 =	simm.s32 @p0 $0x1  }
0x13: {  	[smem:$0x3FB2] =	sst s0;
	s0 =	simm.s32 @!p1 $0x0  }
0x14: {  	s2 =	sld [smem:$0x3F96];
	s0 =	simm.s32 @p1 $0x1  }
0x15: {  	[smem:$0x3FB3] =	sst s0;
	s0 =	simm.s32 @!p2 $0x0  }
0x16: {  	s3 =	sld [smem:$0x3FDB];
	s0 =	simm.s32 @p2 $0x1  }
0x17: {  	s4 =	simm.s32 $0x1BF5;
	[smem:$0x3FB5] =	sst s0  }
0x18: {  	s0 =	sld [smem:$0x3F98];
	_ =	swait.ge [sflag:s4], $0x0  }
0x19: {  	s7 =	sld [smem:$0x3F99]  }
0x1a: {  	s8 =	sadd.s32 $0xFFFFE003, lr  }
0x1b: {  	s9 =	sadd.s32 $0xFFFFFEF7, lr;
	s5 =	simm.s32 $0xFFFFFFFF;
	p2 =	slt.u32 s8, $0xFFFFF086  }
0x1c: {  	p1 =	slt.u32 s9, $0xF7A;
	s5 =	simm.s32 @!p2 $0x0  }
0x1d: {  	s5 =	simm.s32 @p1 $0x1;
	p0 =	seq.s32 s7, s2  }
0x1e: {  	s7 =	smul.u32 @!p0 $0xF7A, s2;
	p2 =	seq.s32 @!p0 s5, $0x0  }
0x1f: {  	s9 =	smul.u32 $0xF7A, s1;
	s8 =	simm.s32 @!p0 $0x1BF5;
	p2 =	por !p2, p0  }
0x20: {  	[sflag:s8] =	ssyncset.s32 @!p0 $0xFFFFF086;
	s6 =	sadd.s32 @!p0 s3, s7;
	s7 =	simm.s32 @!p0 $0x108  }
0x21: {  	s3 =	sadd.s32 s3, s9;
	s6 =	sadd.s32 @!p0 $0x88, s6;
	s7 =	simm.s32 @p2 $0x1082  }
0x22: {  	[simem:s7], [sflag:s8] =	dma.local @!p0 [hbm:s6], $0xF7A  }
0x23: {  	s9 =	sor.u32 $0xD0000000, s2;
	s6 =	simm.s32 $0x108;
	_ =	swait.ge @!p0 [sflag:s8], $0x0  }
0x24: {  	s3 =	sadd.s32 $0x88, s3;
	s6 =	simm.s32 @!p1 $0x1082;
	[sflag:s4] =	ssyncset.s32 $0xFFFFF086  }
0x25: {  	[simem:s6], [sflag:s4] =	dma.local [hbm:s3], $0xF7A  }
0x26: {  	[smem:$0x3F99] =	sst s1;
	(tag) =	ssettag s2;
	_ =	strace s9  }
0x27: {  	s1 =	sld [smem:$0x3FA9]  }
0x28: {  	s2 =	sld [smem:$0x3FAA]  }
0x29: {  	s4 =	sld [smem:$0x3FAC]  }
0x2a: {  	p0 =	seq.s32 s5, $0x0;
	s5 =	sld [smem:$0x3FAD]  }
0x2b: {  	s6 =	sld [smem:$0x3FAE]  }
0x2c: {  	s7 =	sld [smem:$0x3FAF]  }
0x2d: {  	s3 =	simm.s32 $0x108;
	s8 =	sld [smem:$0x3FB0]  }
0x2e: {  	s3 =	simm.s32 @!p0 $0x1082;
	s9 =	sld [smem:$0x3FB1]  }
0x2f: {  	lr =	sadd.s32 s0, s3;
	s0 =	sld [smem:$0x3FA8]  }
0x30: {  	s3 =	sld [smem:$0x3FAB]  }
0x31: {  	[smem:$0x3FB4] =	sst s10  }
0x32: {  	s10 =	sld [smem:$0x3FB2];
	_ =	sdelay $0x3  }
0x33: {  	p0 =	seq.s32 s10, $0x1;
	s10 =	sld [smem:$0x3FB4];
	_ =	sdelay $0x3  }
0x34: {  	[smem:$0x3FB4] =	sst s10  }
0x35: {  	s10 =	sld [smem:$0x3FB3];
	_ =	sdelay $0x3  }
0x36: {  	p1 =	seq.s32 s10, $0x1;
	s10 =	sld [smem:$0x3FB4];
	_ =	sdelay $0x3  }
0x37: {  	[smem:$0x3FB4] =	sst s10  }
0x38: {  	s10 =	sld [smem:$0x3FB5]  }
0x39: {  	_ = 	snop;
	(pc) =	sbr.ind lr, $3  }
0x3a: {  	_ = 	snop  }
0x3b: {  	_ = 	snop  }
0x3c: {  	p2 =	seq.s32 s10, $0x1;
	s10 =	sld [smem:$0x3FB4]  }
0x3d: {  	_ =	shalt  }
0x3e: {  	_ =	shalt  }
0x3f: {  	_ =	shalt  }
0x40: {  	_ =	shalt  }
0x41: {  	_ =	shalt  }
0x42: {  	_ =	shalt  }
0x43: {  	_ =	shalt  }
0x44: {  	_ =	shalt  }
0x45: {  	_ =	shalt  }
0x46: {  	_ =	shalt  }
0x47: {  	_ =	shalt  }
0x48: {  	_ =	shalt  }
0x49: {  	_ =	shalt  }
0x4a: {  	_ =	shalt  }
0x4b: {  	_ =	shalt  }
0x4c: {  	_ =	shalt  }
0x4d: {  	_ =	shalt  }
0x4e: {  	_ =	shalt  }
0x4f: {  	_ =	shalt  }
0x50: {  	_ =	shalt  }
0x51: {  	_ =	shalt  }
0x52: {  	_ =	shalt  }
0x53: {  	_ =	shalt  }
0x54: {  	_ =	shalt  }
0x55: {  	_ =	shalt  }
0x56: {  	_ =	shalt  }
0x57: {  	_ =	shalt  }
0x58: {  	_ =	shalt  }
0x59: {  	_ =	shalt  }
0x5a: {  	_ =	shalt  }
0x5b: {  	_ =	shalt  }
0x5c: {  	_ =	shalt  }
0x5d: {  	_ =	shalt  }
0x5e: {  	_ =	shalt  }
0x5f: {  	_ =	shalt  }
0x60: {  	_ =	shalt  }
0x61: {  	_ =	shalt  }
0x62: {  	_ =	shalt  }
0x63: {  	_ =	shalt  }
0x64: {  	_ =	shalt  }
0x65: {  	_ =	shalt  }
0x66: {  	_ =	shalt  }
0x67: {  	_ =	shalt  }
0x68: {  	_ =	shalt  }
0x69: {  	_ =	shalt  }
0x6a: {  	_ =	shalt  }
0x6b: {  	_ =	shalt  }
0x6c: {  	_ =	shalt  }
0x6d: {  	_ =	shalt  }
0x6e: {  	_ =	shalt  }
0x6f: {  	_ =	shalt  }
0x70: {  	_ =	shalt  }
0x71: {  	_ =	shalt  }
0x72: {  	_ =	shalt  }
0x73: {  	_ =	shalt  }
0x74: {  	_ =	shalt  }
0x75: {  	_ =	shalt  }
0x76: {  	_ =	shalt  }
0x77: {  	_ =	shalt  }
0x78: {  	_ =	shalt  }
0x79: {  	_ =	shalt  }
0x7a: {  	_ =	shalt  }
0x7b: {  	_ =	shalt  }
0x7c: {  	_ =	shalt  }
0x7d: {  	_ =	shalt  }
0x7e: {  	_ =	shalt  }
0x7f: {  	_ =	shalt  }
0x80: {  	_ =	shalt  }
0x81: {  	_ =	shalt  }
0x82: {  	_ =	shalt  }
0x83: {  	_ =	shalt  }
0x84: {  	_ =	shalt  }
0x85: {  	_ =	shalt  }
0x86: {  	_ =	shalt  }
0x87: {  	_ =	shalt  }
.Lfunc_end0:
.L_simem_size_0:
called_computation_lowered:
.L_overlay_start_0:
0x88: {  	s2 =	sld [smem:$0x3FD9]  }
0x89: {  	s3 =	sld [smem:$0x3FFE];
	_ =	sdelay $0x1  }
0x8a: {  	s1 =	srdreg.scid  }
0x8b: {  	s0 =	sand.u32 $0x1, s1  }
0x8c: {  	s17 =	sshll.u32 s0, $0xA;
	s2 =	sadd.s32 s3, s2  }
0x8d: {  	s2 =	sadd.s32 s2, s17  }
0x8e: {  	[smem:$0x3FC0] =	sst s2  }
0x8f: {  	_ = 	snop  }
0x90: {  	s2 =	sld [smem:$0x3FC9];
	(tm) =	ssettm $0x1  }
0x91: {  	s18 =	sld [smem:$0x3FFB];
	_ =	sdelay $0x3  }
0x92: {  	_ =	strace s18  }
0x93: {  	s3 =	sld [smem:$0x3FFC];
	_ =	sdelay $0x3  }
0x94: {  	_ =	strace s3  }
0x95: {  	s3 =	sld [smem:$0x3FFD];
	_ =	sdelay $0x3  }
0x96: {  	_ =	strace s3  }
0x97: {  	_ =	strace $0x8FFFFFFF  }
0x98: {  	s19 =	sld [smem:$0x3FDB];
	_ =	sdelay $0x1  }
0x99: {  	s4 =	simm.s32 $_scs_section_size  }
0x9a: {  	s5 =	simm.s32 $_size__tile_overlayer_lowered;
	s6 =	simm.s32 $_tile_overlayer_lowered  }
0x9b: {  	s22 =	simm.s32 $0x1BFF;
	s21 =	sshll.u32 s6, $0x1;
	s3 =	sadd.s32 s4, s19  }
0x9c: {  	s7 =	simm.s32 $0x0;
	s20 =	sshll.u32 s5, $0x1;
	s5 =	sadd.s32 s21, s3  }
0x9d: {  	[timem:s7], [sflag:s22] =	dma.local [hbm:s5], s20  }
0x9e: {  	_ =	swait.ge [sflag:s22], s20  }
0x9f: {  	s4 =	ssub.s32 $0x0, s20;
	[sflag:s22] =	ssyncset.done $0x0  }
0xa0: {  	[sflag:s22] =	ssyncadd.s32 s4;
	_ =	sdelay $0x1  }
0xa1: {  	s23 =	simm.s32 $0x1B8B  }
0xa2: {  	_ =	swait.ge [sflag:s23], $0x1  }
0xa3: {  	[sflag:s23] =	ssyncset.done $0x0  }
0xa4: {  	s25 =	simm.s32 $0x1B8E;
	s24 =	sld [smem:$0x3FFE];
	[sflag:s23] =	ssyncadd.s32 $0xFFFFFFFF  }
0xa5: {  	s26 =	simm.s32 $execute0_lowered;
	[smem:$0x3FD2] =	sst s25  }
0xa6: {  	s5 =	sshll.u32 s26, $0x1;
	_ =	strace $0x80000046;
	[dreg:$0x1] =	wrdreg $0xFFFFFFFF  }
0xa7: {  	s28 =	simm.s32 $_size_execute0_lowered;
	s3 =	sadd.s32 s3, s5;
	[dreg:$0x0] =	wrdreg $0x0  }
0xa8: {  	s5 =	sshll.u32 s28, $0x1;
	[dreg:$0x2] =	wrdreg s3  }
0xa9: {  	[dreg:$0x3] =	wrdreg s5  }
0xaa: {  	[dreg:$0x4] =	wrdreg $0xC0  }
0xab: {  	_ =	task [dreg:s7], $0x5FFFF  }
0xac: {  	[dreg:$0x1] =	wrdreg $0xFFFFFFFF  }
0xad: {  	[dreg:$0x0] =	wrdreg $0x60  }
0xae: {  	[dreg:$0x2] =	wrdreg s24  }
0xaf: {  	[dreg:$0x3] =	wrdreg s2  }
0xb0: {  	[dreg:$0x4] =	wrdreg $0x9  }
0xb1: {  	_ =	task.clear_ibuf [dreg:s7], $0x5FFFF;
	_ =	strace $0x90000046  }
0xb2: {  	s29 =	simm.s32 $0x9;
	_ =	strace $0x80000048  }
0xb3: {  	_ =	swait.ge [sflag:s29], $0x1  }
0xb4: {  	[sflag:s29] =	ssyncadd.s32 $0xFFFFFFFF  }
0xb5: {  	_ =	strace $0x90000048  }
0xb6: {  	_ =	sfence  }
0xb7: {  	s30 =	sld [smem:$0x0];
	_ =	sdelay $0x2  }
0xb8: {  	s31 =	sshll.u32 s1, $0xD;
	s1 =	sshrl.u32 s1, $0x2  }
0xb9: {  	s3 =	sand.u32 $0x4000, s31;
	s1 =	sadd.s32 s1, s30  }
0xba: {  	s0 =	sor.u32 s3, s0;
	s1 =	sshll.u32 s1, $0x11  }
0xbb: {  	s0 =	sor.u32 s1, s0  }
0xbc: {  	s0 =	sadd.s32 $0x8F2B, s0  }
0xbd: {  	[sflag:s0] =	ssyncadd.remote.s32 $0x1  }
0xbe: {  	_ =	sfence.sel $0xFFFF  }
0xbf: {  	[dreg:$0x0] =	wrdreg $0xFFFFFFFF;
	(pc) =	sbr.abs _section_cstart, $3  }
0xc0: {  	[dreg:$0x1] =	wrdreg $0xFFFFFFFF  }
0xc1: {  	_ =	task.clear_ibuf [dreg:s7], $0x2FFFF;
	_ =	strace $0x9FFFFFFF  }
0xc2: {  	(tm) =	ssettm $0x7FFFFFFF  }
0xc3: {  	_ =	shalt  }
tec
execute0_lowered:
.L_overlay_start_1:
0x0: {  	(tag) =	ssettag $0x1  }
0x1: {  	s0 =	srdreg.scid  }
0x2: {  	s1 =	rddreg [dreg:$0x0];
	s2 =	stileid.u32  }
0x3: {  	s4 =	rddreg [dreg:$0x1];
	s26 =	simm.s32 $0x80;
	s18 =	simm.s32 $0x100  }
0x4: {  	s22 =	simm.s32 $0x1900;
	s23 =	simm.s32 $0x2100;
	s24 =	simm.s32 $0x2900  }
0x5: {  	s25 =	simm.s32 $0x3100;
	s28 =	simm.s32 $0x4100;
	s29 =	simm.s32 $0x4900  }
0x6: {  	s30 =	simm.s32 $0x5100;
	s31 =	simm.s32 $0x5900;
	s10 =	simm.s32 $0x7100  }
0x7: {  	s11 =	simm.s32 $0x7900;
	s12 =	simm.s32 $0x8100;
	s13 =	simm.s32 $0x8900  }
0x8: {  	s14 =	simm.s32 $0x9100;
	s15 =	simm.s32 $0x9900;
	s16 =	simm.s32 $0xA100  }
0x9: {  	s17 =	simm.s32 $0xA900;
	s9 =	simm.s32 $0xB100;
	s19 =	simm.s32 $0xB900  }
0xa: {  	s0 =	sand.u32 $0x1, s0;
	s3 =	sshll.u32 s2, $0x7;
	s2 =	simm.s32 $0x0  }
0xb: {  	s5 =	sshll.u32 s0, $0x6;
	[smem:$0x7FF] =	sst s2;
	s0 =	ssub.s32 $0x2, s0  }
0xc: {  	s5 =	sor.u32 s5, s3;
	_ =	strace $0x80000047;
	s7 =	sshrl.u32 s0, $0x1  }
0xd: {  	[dreg:$0x6] =	wrdreg s26;
	s26 =	simm.s32 $0x3900;
	s3 =	sshrl.u32 s5, $0x3  }
0xe: {  	s5 =	sshll.u32 s5, $0x7;
	s0 =	ssub.s32 s0, s7;
	s6 =	sadd.s32 s3, s1  }
0xf: {  	s3 =	sadd.s32 $0xAA00, s1;
	s4 =	sadd.s32 s4, s5;
	s5 =	sadd.s32 $0xAC00, s1  }
0x10: {  	v2 =	vlaneseq.u32;
	s7 =	smax.u32 s0, $0x1;
	s8 =	sadd.s32 $0x2400, s6;
	[dreg:$0x5] =	wrdreg s4  }
0x11: {  	vm0 =	vmmov $0xffff;
	v1 =	vshrl.u32 v2, $0x3;
	s6 =	sadd.s32 $0x2600, s6;
	s4 =	sadd.s32 $0xAB00, s1;
	[dreg:$0x3] =	wrdreg s8  }
0x12: {  	v0 =	vand.u32 $0x7, v2;
	v2 =	vor.u32 $0x8, v2;
	v1 =	vmul.u32 $0x8, v1;
	[dreg:$0x4] =	wrdreg s6;
	s6 =	sadd.s32 $0xAD00, s1;
	s8 =	simm.s32 $0x3  }
.LBB2_1:
0x13: {  	s20 =	rddreg [dreg:$0x3]  }
0x14: {  	[tilespmem:s2], [sflag:$0x3] =	stream.linear.gather [hbm4b:s20+s2], $0x40, $0x38;
	[tilespmem:$0x10100] =	vst v63  }
0x15: {  	_ =	swait.ge [sflag:s8], $0x40  }
0x16: {  	s0 =	rddreg [dreg:$0x4];
	[sflag:s8] =	ssyncset.done $0x0  }
0x17: {  	s21 =	rddreg [dreg:$0x6];
	[sflag:s8] =	ssyncadd.s32 $0xFFFFFFC0  }
0x18: {  	[tilespmem:s21], [sflag:$0x3] =	stream.linear.gather [hbm4b:s0+s2], $0x40, $0x38;
	[tilespmem:$0x10100] =	vst v63  }
0x19: {  	_ =	swait.ge [sflag:s8], $0x40  }
0x1a: {  	[sflag:s8] =	ssyncset.done $0x0  }
0x1b: {  	s1 =	rddreg [dreg:$0x5];
	[sflag:s8] =	ssyncadd.s32 $0xFFFFFFC0  }
0x1c: {  	[tilespmem:s18], [sflag:$0x3] =	stream.linear.gather [hbm4b:s1+s2], $0x10000, $0x38;
	[tilespmem:$0x10100] =	vst v63  }
0x1d: {  	_ =	swait.ge [sflag:s8], $0x10000  }
0x1e: {  	[sflag:s8] =	ssyncset.done $0x0  }
0x1f: {  	[sflag:s8] =	ssyncadd.s32 $0xFFFF0000  }
0x20: {  	v3 =	vld [tilespmem:$0x0];
	_ =	sdelay $0x4  }
0x21: {  	v4 =	vshll.u32 v3, $0x3  }
0x22: {  	v3 =	vand.u32 $0x7, v3;
	v4 =	vand.u32 $0xFFFFFFC0, v4  }
0x23: {  	v3 =	vor.u32 v3, v4  }
0x24: {  	v4 =	vperm.xlane v3, v0;
	_ =	sdelay $0x1  }
0x25: {  	v4 =	vadd.s32 v1, v4;
	_ =	sdelay $0x4  }
0x26: {  	[hbm4b:s3+s2] =	stream.indirect_vreg.scatter [tilespmem:s18], [sflag:$0x1], $0x80, v4, vm0, $0xb8;
	[tilespmem:$0x10100] =	vst v63  }
0x27: {  	s20 =	simm.s32 $0x900;
	v3 =	vperm.xlane v3, v2  }
0x28: {  	[hbm4b:s4+s2] =	stream.indirect_vreg.scatter [tilespmem:s20], [sflag:$0x1], $0x80, v4, vm0, $0xb8;
	[tilespmem:$0x10100] =	vst v63  }
0x29: {  	s21 =	simm.s32 $0x1100;
	v3 =	vadd.s32 v1, v3  }
0x2a: {  	[hbm4b:s5+s2] =	stream.indirect_vreg.scatter [tilespmem:s21], [sflag:$0x1], $0x80, v4, vm0, $0xb8;
	[tilespmem:$0x10100] =	vst v63  }
0x2b: {  	_ = 	snop  }
0x2c: {  	[hbm4b:s6+s2] =	stream.indirect_vreg.scatter [tilespmem:s22], [sflag:$0x1], $0x80, v4, vm0, $0xb8;
	[tilespmem:$0x10100] =	vst v63  }
0x2d: {  	_ = 	snop  }
0x2e: {  	[hbm4b:s3+s2] =	stream.indirect_vreg.scatter [tilespmem:s23], [sflag:$0x1], $0x80, v3, vm0, $0xb8;
	[tilespmem:$0x10100] =	vst v63  }
0x2f: {  	_ = 	snop  }
0x30: {  	[hbm4b:s4+s2] =	stream.indirect_vreg.scatter [tilespmem:s24], [sflag:$0x1], $0x80, v3, vm0, $0xb8;
	[tilespmem:$0x10100] =	vst v63  }
0x31: {  	_ = 	snop  }
0x32: {  	[hbm4b:s5+s2] =	stream.indirect_vreg.scatter [tilespmem:s25], [sflag:$0x1], $0x80, v3, vm0, $0xb8;
	[tilespmem:$0x10100] =	vst v63  }
0x33: {  	_ = 	snop  }
0x34: {  	[hbm4b:s6+s2] =	stream.indirect_vreg.scatter [tilespmem:s26], [sflag:$0x1], $0x80, v3, vm0, $0xb8;
	[tilespmem:$0x10100] =	vst v63  }
0x35: {  	v3 =	vld [tilespmem:$0x10];
	_ =	sdelay $0x4  }
0x36: {  	v57 =	vshll.u32 v3, $0x3  }
0x37: {  	v3 =	vand.u32 $0x7, v3;
	v4 =	vand.u32 $0xFFFFFFC0, v57  }
0x38: {  	v3 =	vor.u32 v3, v4  }
0x39: {  	v4 =	vperm.xlane v3, v0;
	_ =	sdelay $0x1  }
0x3a: {  	v4 =	vadd.s32 v1, v4;
	_ =	sdelay $0x4  }
0x3b: {  	[hbm4b:s3+s2] =	stream.indirect_vreg.scatter [tilespmem:s28], [sflag:$0x1], $0x80, v4, vm0, $0xb8;
	[tilespmem:$0x10100] =	vst v63  }
0x3c: {  	v3 =	vperm.xlane v3, v2  }
0x3d: {  	[hbm4b:s4+s2] =	stream.indirect_vreg.scatter [tilespmem:s29], [sflag:$0x1], $0x80, v4, vm0, $0xb8;
	[tilespmem:$0x10100] =	vst v63  }
0x3e: {  	v3 =	vadd.s32 v1, v3  }
0x3f: {  	[hbm4b:s5+s2] =	stream.indirect_vreg.scatter [tilespmem:s30], [sflag:$0x1], $0x80, v4, vm0, $0xb8;
	[tilespmem:$0x10100] =	vst v63  }
0x40: {  	_ = 	snop  }
0x41: {  	[hbm4b:s6+s2] =	stream.indirect_vreg.scatter [tilespmem:s31], [sflag:$0x1], $0x80, v4, vm0, $0xb8;
	[tilespmem:$0x10100] =	vst v63  }
0x42: {  	s1 =	simm.s32 $0x6100  }
0x43: {  	[hbm4b:s3+s2] =	stream.indirect_vreg.scatter [tilespmem:s1], [sflag:$0x1], $0x80, v3, vm0, $0xb8;
	[tilespmem:$0x10100] =	vst v63  }
0x44: {  	s0 =	simm.s32 $0x6900  }
0x45: {  	[hbm4b:s4+s2] =	stream.indirect_vreg.scatter [tilespmem:s0], [sflag:$0x1], $0x80, v3, vm0, $0xb8;
	[tilespmem:$0x10100] =	vst v63  }
0x46: {  	_ = 	snop  }
0x47: {  	[hbm4b:s5+s2] =	stream.indirect_vreg.scatter [tilespmem:s10], [sflag:$0x1], $0x80, v3, vm0, $0xb8;
	[tilespmem:$0x10100] =	vst v63  }
0x48: {  	_ = 	snop  }
0x49: {  	[hbm4b:s6+s2] =	stream.indirect_vreg.scatter [tilespmem:s11], [sflag:$0x1], $0x80, v3, vm0, $0xb8;
	[tilespmem:$0x10100] =	vst v63  }
0x4a: {  	v3 =	vld [tilespmem:$0x20];
	_ =	sdelay $0x4  }
0x4b: {  	v58 =	vshll.u32 v3, $0x3  }
0x4c: {  	v3 =	vand.u32 $0x7, v3;
	v4 =	vand.u32 $0xFFFFFFC0, v58  }
0x4d: {  	v3 =	vor.u32 v3, v4  }
0x4e: {  	v4 =	vperm.xlane v3, v0;
	_ =	sdelay $0x1  }
0x4f: {  	v4 =	vadd.s32 v1, v4;
	_ =	sdelay $0x4  }
0x50: {  	[hbm4b:s3+s2] =	stream.indirect_vreg.scatter [tilespmem:s12], [sflag:$0x1], $0x80, v4, vm0, $0xb8;
	[tilespmem:$0x10100] =	vst v63  }
0x51: {  	v3 =	vperm.xlane v3, v2  }
0x52: {  	[hbm4b:s4+s2] =	stream.indirect_vreg.scatter [tilespmem:s13], [sflag:$0x1], $0x80, v4, vm0, $0xb8;
	[tilespmem:$0x10100] =	vst v63  }
0x53: {  	v3 =	vadd.s32 v1, v3  }
0x54: {  	[hbm4b:s5+s2] =	stream.indirect_vreg.scatter [tilespmem:s14], [sflag:$0x1], $0x80, v4, vm0, $0xb8;
	[tilespmem:$0x10100] =	vst v63  }
0x55: {  	_ = 	snop  }
0x56: {  	[hbm4b:s6+s2] =	stream.indirect_vreg.scatter [tilespmem:s15], [sflag:$0x1], $0x80, v4, vm0, $0xb8;
	[tilespmem:$0x10100] =	vst v63  }
0x57: {  	_ = 	snop  }
0x58: {  	[hbm4b:s3+s2] =	stream.indirect_vreg.scatter [tilespmem:s16], [sflag:$0x1], $0x80, v3, vm0, $0xb8;
	[tilespmem:$0x10100] =	vst v63  }
0x59: {  	_ = 	snop  }
0x5a: {  	[hbm4b:s4+s2] =	stream.indirect_vreg.scatter [tilespmem:s17], [sflag:$0x1], $0x80, v3, vm0, $0xb8;
	[tilespmem:$0x10100] =	vst v63  }
0x5b: {  	_ = 	snop  }
0x5c: {  	[hbm4b:s5+s2] =	stream.indirect_vreg.scatter [tilespmem:s9], [sflag:$0x1], $0x80, v3, vm0, $0xb8;
	[tilespmem:$0x10100] =	vst v63  }
0x5d: {  	_ = 	snop  }
0x5e: {  	[hbm4b:s6+s2] =	stream.indirect_vreg.scatter [tilespmem:s19], [sflag:$0x1], $0x80, v3, vm0, $0xb8;
	[tilespmem:$0x10100] =	vst v63  }
0x5f: {  	v3 =	vld [tilespmem:$0x30];
	_ =	sdelay $0x4  }
0x60: {  	v59 =	vshll.u32 v3, $0x3  }
0x61: {  	v3 =	vand.u32 $0x7, v3;
	v4 =	vand.u32 $0xFFFFFFC0, v59  }
0x62: {  	v3 =	vor.u32 v3, v4  }
0x63: {  	v4 =	vperm.xlane v3, v0;
	_ =	sdelay $0x1  }
0x64: {  	v4 =	vadd.s32 v1, v4;
	_ =	sdelay $0x3  }
0x65: {  	s0 =	simm.s32 $0xC100  }
0x66: {  	[hbm4b:s3+s2] =	stream.indirect_vreg.scatter [tilespmem:s0], [sflag:$0x1], $0x80, v4, vm0, $0xb8;
	[tilespmem:$0x10100] =	vst v63  }
0x67: {  	v3 =	vperm.xlane v3, v2;
	s0 =	simm.s32 $0xC900  }
0x68: {  	[hbm4b:s4+s2] =	stream.indirect_vreg.scatter [tilespmem:s0], [sflag:$0x1], $0x80, v4, vm0, $0xb8;
	[tilespmem:$0x10100] =	vst v63  }
0x69: {  	v3 =	vadd.s32 v1, v3;
	s0 =	simm.s32 $0xD100  }
0x6a: {  	[hbm4b:s5+s2] =	stream.indirect_vreg.scatter [tilespmem:s0], [sflag:$0x1], $0x80, v4, vm0, $0xb8;
	[tilespmem:$0x10100] =	vst v63  }
0x6b: {  	s0 =	simm.s32 $0xD900  }
0x6c: {  	[hbm4b:s6+s2] =	stream.indirect_vreg.scatter [tilespmem:s0], [sflag:$0x1], $0x80, v4, vm0, $0xb8;
	[tilespmem:$0x10100] =	vst v63  }
0x6d: {  	s0 =	simm.s32 $0xE100  }
0x6e: {  	[hbm4b:s3+s2] =	stream.indirect_vreg.scatter [tilespmem:s0], [sflag:$0x1], $0x80, v3, vm0, $0xb8;
	[tilespmem:$0x10100] =	vst v63  }
0x6f: {  	s0 =	simm.s32 $0xE900  }
0x70: {  	[hbm4b:s4+s2] =	stream.indirect_vreg.scatter [tilespmem:s0], [sflag:$0x1], $0x80, v3, vm0, $0xb8;
	[tilespmem:$0x10100] =	vst v63  }
0x71: {  	s0 =	simm.s32 $0xF100  }
0x72: {  	[hbm4b:s5+s2] =	stream.indirect_vreg.scatter [tilespmem:s0], [sflag:$0x1], $0x80, v3, vm0, $0xb8;
	[tilespmem:$0x10100] =	vst v63  }
0x73: {  	s0 =	simm.s32 $0xF900  }
0x74: {  	[hbm4b:s6+s2] =	stream.indirect_vreg.scatter [tilespmem:s0], [sflag:$0x1], $0x80, v3, vm0, $0xb8;
	[tilespmem:$0x10100] =	vst v63  }
0x75: {  	v3 =	vld [tilespmem:$0x80];
	_ =	sdelay $0x4  }
0x76: {  	v60 =	vshll.u32 v3, $0x3  }
0x77: {  	v3 =	vand.u32 $0x7, v3;
	v4 =	vand.u32 $0xFFFFFFC0, v60  }
0x78: {  	v3 =	vor.u32 v3, v4  }
0x79: {  	v4 =	vperm.xlane v3, v0;
	_ =	sdelay $0x1  }
0x7a: {  	v4 =	vadd.s32 v1, v4;
	_ =	sdelay $0x4  }
0x7b: {  	[hbm4b:s3+s2] =	stream.indirect_vreg.scatter [tilespmem:s18], [sflag:$0x2], $0x80, v4, vm0, $0xb8;
	[tilespmem:$0x10100] =	vst v63  }
0x7c: {  	v3 =	vperm.xlane v3, v2  }
0x7d: {  	[hbm4b:s4+s2] =	stream.indirect_vreg.scatter [tilespmem:s20], [sflag:$0x2], $0x80, v4, vm0, $0xb8;
	[tilespmem:$0x10100] =	vst v63  }
0x7e: {  	v3 =	vadd.s32 v1, v3  }
0x7f: {  	[hbm4b:s5+s2] =	stream.indirect_vreg.scatter [tilespmem:s21], [sflag:$0x2], $0x80, v4, vm0, $0xb8;
	[tilespmem:$0x10100] =	vst v63  }
0x80: {  	_ = 	snop  }
0x81: {  	[hbm4b:s6+s2] =	stream.indirect_vreg.scatter [tilespmem:s22], [sflag:$0x2], $0x80, v4, vm0, $0xb8;
	[tilespmem:$0x10100] =	vst v63  }
0x82: {  	_ = 	snop  }
0x83: {  	[hbm4b:s3+s2] =	stream.indirect_vreg.scatter [tilespmem:s23], [sflag:$0x2], $0x80, v3, vm0, $0xb8;
	[tilespmem:$0x10100] =	vst v63  }
0x84: {  	_ = 	snop  }
0x85: {  	[hbm4b:s4+s2] =	stream.indirect_vreg.scatter [tilespmem:s24], [sflag:$0x2], $0x80, v3, vm0, $0xb8;
	[tilespmem:$0x10100] =	vst v63  }
0x86: {  	_ = 	snop  }
0x87: {  	[hbm4b:s5+s2] =	stream.indirect_vreg.scatter [tilespmem:s25], [sflag:$0x2], $0x80, v3, vm0, $0xb8;
	[tilespmem:$0x10100] =	vst v63  }
0x88: {  	_ = 	snop  }
0x89: {  	[hbm4b:s6+s2] =	stream.indirect_vreg.scatter [tilespmem:s26], [sflag:$0x2], $0x80, v3, vm0, $0xb8;
	[tilespmem:$0x10100] =	vst v63  }
0x8a: {  	v3 =	vld [tilespmem:$0x90];
	_ =	sdelay $0x4  }
0x8b: {  	v61 =	vshll.u32 v3, $0x3  }
0x8c: {  	v3 =	vand.u32 $0x7, v3;
	v4 =	vand.u32 $0xFFFFFFC0, v61  }
0x8d: {  	v3 =	vor.u32 v3, v4  }
0x8e: {  	v4 =	vperm.xlane v3, v0;
	_ =	sdelay $0x1  }
0x8f: {  	v4 =	vadd.s32 v1, v4;
	_ =	sdelay $0x4  }
0x90: {  	[hbm4b:s3+s2] =	stream.indirect_vreg.scatter [tilespmem:s28], [sflag:$0x2], $0x80, v4, vm0, $0xb8;
	[tilespmem:$0x10100] =	vst v63  }
0x91: {  	v3 =	vperm.xlane v3, v2  }
0x92: {  	[hbm4b:s4+s2] =	stream.indirect_vreg.scatter [tilespmem:s29], [sflag:$0x2], $0x80, v4, vm0, $0xb8;
	[tilespmem:$0x10100] =	vst v63  }
0x93: {  	v3 =	vadd.s32 v1, v3  }
0x94: {  	[hbm4b:s5+s2] =	stream.indirect_vreg.scatter [tilespmem:s30], [sflag:$0x2], $0x80, v4, vm0, $0xb8;
	[tilespmem:$0x10100] =	vst v63  }
0x95: {  	_ = 	snop  }
0x96: {  	[hbm4b:s6+s2] =	stream.indirect_vreg.scatter [tilespmem:s31], [sflag:$0x2], $0x80, v4, vm0, $0xb8;
	[tilespmem:$0x10100] =	vst v63  }
0x97: {  	_ = 	snop  }
0x98: {  	[hbm4b:s3+s2] =	stream.indirect_vreg.scatter [tilespmem:s1], [sflag:$0x2], $0x80, v3, vm0, $0xb8;
	[tilespmem:$0x10100] =	vst v63  }
0x99: {  	s20 =	simm.s32 $0x6900  }
0x9a: {  	[hbm4b:s4+s2] =	stream.indirect_vreg.scatter [tilespmem:s20], [sflag:$0x2], $0x80, v3, vm0, $0xb8;
	[tilespmem:$0x10100] =	vst v63  }
0x9b: {  	_ = 	snop  }
0x9c: {  	[hbm4b:s5+s2] =	stream.indirect_vreg.scatter [tilespmem:s10], [sflag:$0x2], $0x80, v3, vm0, $0xb8;
	[tilespmem:$0x10100] =	vst v63  }
0x9d: {  	_ = 	snop  }
0x9e: {  	[hbm4b:s6+s2] =	stream.indirect_vreg.scatter [tilespmem:s11], [sflag:$0x2], $0x80, v3, vm0, $0xb8;
	[tilespmem:$0x10100] =	vst v63  }
0x9f: {  	v3 =	vld [tilespmem:$0xA0];
	_ =	sdelay $0x4  }
0xa0: {  	v62 =	vshll.u32 v3, $0x3  }
0xa1: {  	v3 =	vand.u32 $0x7, v3;
	v4 =	vand.u32 $0xFFFFFFC0, v62  }
0xa2: {  	v3 =	vor.u32 v3, v4  }
0xa3: {  	v4 =	vperm.xlane v3, v0;
	_ =	sdelay $0x1  }
0xa4: {  	v4 =	vadd.s32 v1, v4;
	_ =	sdelay $0x4  }
0xa5: {  	[hbm4b:s3+s2] =	stream.indirect_vreg.scatter [tilespmem:s12], [sflag:$0x2], $0x80, v4, vm0, $0xb8;
	[tilespmem:$0x10100] =	vst v63  }
0xa6: {  	v3 =	vperm.xlane v3, v2  }
0xa7: {  	[hbm4b:s4+s2] =	stream.indirect_vreg.scatter [tilespmem:s13], [sflag:$0x2], $0x80, v4, vm0, $0xb8;
	[tilespmem:$0x10100] =	vst v63  }
0xa8: {  	v3 =	vadd.s32 v1, v3  }
0xa9: {  	[hbm4b:s5+s2] =	stream.indirect_vreg.scatter [tilespmem:s14], [sflag:$0x2], $0x80, v4, vm0, $0xb8;
	[tilespmem:$0x10100] =	vst v63  }
0xaa: {  	_ = 	snop  }
0xab: {  	[hbm4b:s6+s2] =	stream.indirect_vreg.scatter [tilespmem:s15], [sflag:$0x2], $0x80, v4, vm0, $0xb8;
	[tilespmem:$0x10100] =	vst v63  }
0xac: {  	_ = 	snop  }
0xad: {  	[hbm4b:s3+s2] =	stream.indirect_vreg.scatter [tilespmem:s16], [sflag:$0x2], $0x80, v3, vm0, $0xb8;
	[tilespmem:$0x10100] =	vst v63  }
0xae: {  	_ = 	snop  }
0xaf: {  	[hbm4b:s4+s2] =	stream.indirect_vreg.scatter [tilespmem:s17], [sflag:$0x2], $0x80, v3, vm0, $0xb8;
	[tilespmem:$0x10100] =	vst v63  }
0xb0: {  	_ = 	snop  }
0xb1: {  	[hbm4b:s5+s2] =	stream.indirect_vreg.scatter [tilespmem:s9], [sflag:$0x2], $0x80, v3, vm0, $0xb8;
	[tilespmem:$0x10100] =	vst v63  }
0xb2: {  	_ = 	snop  }
0xb3: {  	[hbm4b:s6+s2] =	stream.indirect_vreg.scatter [tilespmem:s19], [sflag:$0x2], $0x80, v3, vm0, $0xb8;
	[tilespmem:$0x10100] =	vst v63  }
0xb4: {  	v3 =	vld [tilespmem:$0xB0];
	_ =	sdelay $0x4  }
0xb5: {  	v63 =	vshll.u32 v3, $0x3  }
0xb6: {  	v3 =	vand.u32 $0x7, v3;
	v4 =	vand.u32 $0xFFFFFFC0, v63  }
0xb7: {  	v3 =	vor.u32 v3, v4  }
0xb8: {  	v4 =	vperm.xlane v3, v0;
	_ =	sdelay $0x1  }
0xb9: {  	v4 =	vadd.s32 v1, v4;
	_ =	sdelay $0x3  }
0xba: {  	s21 =	simm.s32 $0xC100  }
0xbb: {  	[hbm4b:s3+s2] =	stream.indirect_vreg.scatter [tilespmem:s21], [sflag:$0x2], $0x80, v4, vm0, $0xb8;
	[tilespmem:$0x10100] =	vst v63  }
0xbc: {  	s20 =	simm.s32 $0xC900;
	v3 =	vperm.xlane v3, v2  }
0xbd: {  	[hbm4b:s4+s2] =	stream.indirect_vreg.scatter [tilespmem:s20], [sflag:$0x2], $0x80, v4, vm0, $0xb8;
	[tilespmem:$0x10100] =	vst v63  }
0xbe: {  	v3 =	vadd.s32 v1, v3;
	s21 =	simm.s32 $0xD100  }
0xbf: {  	[hbm4b:s5+s2] =	stream.indirect_vreg.scatter [tilespmem:s21], [sflag:$0x2], $0x80, v4, vm0, $0xb8;
	[tilespmem:$0x10100] =	vst v63  }
0xc0: {  	s20 =	simm.s32 $0xD900  }
0xc1: {  	[hbm4b:s6+s2] =	stream.indirect_vreg.scatter [tilespmem:s20], [sflag:$0x2], $0x80, v4, vm0, $0xb8;
	[tilespmem:$0x10100] =	vst v63  }
0xc2: {  	s21 =	simm.s32 $0xE100  }
0xc3: {  	[hbm4b:s3+s2] =	stream.indirect_vreg.scatter [tilespmem:s21], [sflag:$0x2], $0x80, v3, vm0, $0xb8;
	[tilespmem:$0x10100] =	vst v63  }
0xc4: {  	s20 =	simm.s32 $0xE900  }
0xc5: {  	[hbm4b:s4+s2] =	stream.indirect_vreg.scatter [tilespmem:s20], [sflag:$0x2], $0x80, v3, vm0, $0xb8;
	[tilespmem:$0x10100] =	vst v63  }
0xc6: {  	s21 =	simm.s32 $0xF100  }
0xc7: {  	[hbm4b:s5+s2] =	stream.indirect_vreg.scatter [tilespmem:s21], [sflag:$0x2], $0x80, v3, vm0, $0xb8;
	[tilespmem:$0x10100] =	vst v63  }
0xc8: {  	s20 =	simm.s32 $0x1  }
0xc9: {  	[hbm4b:s6+s2] =	stream.indirect_vreg.scatter [tilespmem:s0], [sflag:$0x2], $0x80, v3, vm0, $0xb8;
	[tilespmem:$0x10100] =	vst v63  }
0xca: {  	p0 =	sne.s32 s7, $0x1;
	_ =	swait.ge [sflag:s20], $0x10000  }
.Ltmp0:
0xcb: {  	[sflag:s20] =	ssyncset.done $0x0;
	(pc) =	sbr.rel @p0 .LBB2_1-.Ltmp0, $4  }
0xcc: {  	s21 =	simm.s32 $0x2;
	[sflag:s20] =	ssyncadd.s32 $0xFFFF0000  }
0xcd: {  	_ =	swait.ge [sflag:s21], $0x10000  }
0xce: {  	[sflag:s21] =	ssyncset.done $0x0  }
0xcf: {  	s7 =	sadd.s32 $0xFFFFFFFF, s7;
	[sflag:s21] =	ssyncadd.s32 $0xFFFF0000  }
0xd0: {  	_ =	sfence.sel $0x180000  }
0xd1: {  	[bflag:$0x0] =	sbarrier.arrive $0xFFFF  }
0xd2: {  	_ =	strace $0x90000047  }
0xd3: {  	s0 =	stileid.u32;
	[bflag:$0x2] =	sbarrier.arrive $0xFFFF  }
0xd4: {  	p0 =	sne.s32 s0, $0x0;
	s0 =	rddreg [dreg:$0x2]  }
0xd5: {  	s0 =	sadd.s32 @!p0 $0x100000, s0  }
0xd6: {  	[sflag:s0] =	ssyncadd.tile.s32 @!p0 $0x1;
	_ =	shalt  }
.Lfunc_end2:
_tile_overlayer_lowered:
.L_overlay_start_2:
0xd7: {  	(tag) =	ssettag $0x2  }
0xd8: {  	s0 =	rddreg [dreg:$0x0];
	s2 =	stileid.u32  }
0xd9: {  	s1 =	rddreg [dreg:$0x1];
	p0 =	sne.s32 s2, $0x0  }
0xda: {  	s3 =	rddreg [dreg:$0x2];
	[bflag:$0x3] =	sbarrier.arrive $0xFFFF;
	s2 =	simm.s32 @!p0 $0x1C03  }
0xdb: {  	[timem:s3], [sflag:s2] =	dma.local @!p0 [hbm:s0], s1  }
0xdc: {  	s0 =	simm.s32 @!p0 $0x3  }
0xdd: {  	_ =	swait.ge @!p0 [sflag:s0], s1  }
0xde: {  	s1 =	ssub.s32 @!p0 $0x0, s1;
	[sflag:s0] =	ssyncset.done @!p0 $0x0  }
0xdf: {  	[sflag:s0] =	ssyncadd.s32 @!p0 s1  }
0xe0: {  	[bflag:$0x3] =	sbarrier.arrive $0xFFFF  }
0xe1: {  	_ =	shalt  }

</sc_bundles>
